<compile_context>
chip_gen: v7x
topology: tpu7x:2x2x1
jax: 0.10.2.dev20260603
libtpu: 0.0.44.dev20260713+nightly
codegen_flags: <defaults>
</compile_context>

<pallas_src>
import functools

import jax
import jax.numpy as jnp
from jax import lax
from jax.experimental import pallas as pl
from jax.experimental.pallas import tpu as pltpu
from jax.experimental.pallas import tpu_sc as plsc

_NC = 2
_NS = 16
_NW = _NC * _NS
_G = 128
_KB = 8
_NI = _G * _KB
_PPW = 32
_OS = 1041


@functools.lru_cache(maxsize=None)
def _make_gather(V, D):
    NB = _NW * _PPW
    mesh = plsc.VectorSubcoreMesh(core_axis_name="c", subcore_axis_name="s")

    @functools.partial(
        pl.kernel,
        mesh=mesh,
        compiler_params=pltpu.CompilerParams(use_tc_tiling_on_sc=False,
                                             needs_layout_passes=False),
        out_type=jax.ShapeDtypeStruct((NB, 32, 8, 128), jnp.float32),
        scratch_types=[
            pltpu.VMEM((16, 8, 4, 32), jnp.int32),
            pltpu.VMEM((_PPW, _OS), jnp.int32),
            pltpu.VMEM((512, D), jnp.float32),
            pltpu.VMEM((512, D), jnp.float32),
            pltpu.VMEM((32, 9, 137), jnp.float32),
            pltpu.SemaphoreType.DMA,
            pltpu.SemaphoreType.DMA,
            pltpu.SemaphoreType.DMA,
        ],
    )
    def gather_kernel(idx_hbm, table_hbm, out_hbm, staged_v, ordered_v,
                      rows_a, rows_b, out_v, sem_a, sem_b, sem_w):
        wid = lax.axis_index("s") * _NC + lax.axis_index("c")
        bt = wid // 4
        bl0 = (wid % 4) * 32
        iot = jnp.arange(16, dtype=jnp.int32)

        row_lo = iot
        row_hi = iot + 16
        for half in range(2):
            pltpu.sync_copy(
                idx_hbm.at[:, pl.ds(half * 8, 8), bt, :, pl.ds(bl0, 32)],
                staged_v)

            @plsc.parallel_loop(0, 128, unroll=4)
            def detr(g):
                l1 = g >> 3
                l2h = g & 7
                i0 = (l1 * 16 + half * 8 + l2h) * 4
                for o in range(4):
                    col = jnp.full((16,), i0 + o, jnp.int32)
                    lo = staged_v[l1, l2h, o, pl.ds(0, 16)]
                    plsc.store_scatter(ordered_v, [row_lo, col], lo)
                    hi = staged_v[l1, l2h, o, pl.ds(16, 16)]
                    plsc.store_scatter(ordered_v, [row_hi, col], hi)

        cdt8 = (iot >> 3) * 8
        cdr = iot & 7

        def fire(p, ph, buf, sem):
            for j in range(4):
                pltpu.make_async_copy(
                    table_hbm.at[ordered_v.at[p, pl.ds(ph * 512 + j * _G, _G)]],
                    buf.at[pl.ds(j * _G, _G)],
                    sem,
                ).start()

        def drain(p, ph, buf, sem):
            for j in range(4):
                pltpu.make_async_copy(
                    table_hbm.at[ordered_v.at[p, pl.ds(ph * 512 + j * _G, _G)]],
                    buf.at[pl.ds(j * _G, _G)],
                    sem,
                ).wait()

        def transp_half(ph, buf):
            @plsc.parallel_loop(0, 512, unroll=8)
            def transp(r):
                i = ph * 512 + r
                it = i >> 7
                il = jnp.full((16,), i & 127, jnp.int32)
                dtit_lo = cdt8 + it
                lo = buf[r, pl.ds(0, 16)]
                plsc.store_scatter(out_v, [dtit_lo, cdr, il], lo)
                hi = buf[r, pl.ds(16, 16)]
                plsc.store_scatter(out_v, [dtit_lo + 16, cdr, il], hi)

        def write(p):
            c = pltpu.make_async_copy(
                out_v.at[:, pl.ds(0, 8), pl.ds(0, 128)],
                out_hbm.at[wid * _PPW + p],
                sem_w,
            )
            return c

        fire(0, 0, rows_a, sem_a)

        def pair(p, carry):
            fire(p, 1, rows_b, sem_b)
            drain(p, 0, rows_a, sem_a)

            @pl.when(p > 0)
            def _():
                write(p - 1).wait()

            transp_half(0, rows_a)

            @pl.when(p < _PPW - 1)
            def _():
                fire(p + 1, 0, rows_a, sem_a)

            drain(p, 1, rows_b, sem_b)
            transp_half(1, rows_b)
            write(p).start()
            return carry

        lax.fori_loop(0, _PPW, pair, 0)
        write(_PPW - 1).wait()

    return gather_kernel


def kernel(x, parameter):
    L1, L2, orbit_num = x.shape[-3], x.shape[-2], x.shape[-1]
    lead = x.shape[:-3]
    NI = L1 * L2 * orbit_num
    V, D = parameter.shape

    x_phys = (x.transpose(1, 2, 3, 0)
               .reshape(L1, L2, orbit_num, 8, 128)
               .transpose(0, 1, 3, 2, 4))

    out4 = _make_gather(V, D)(x_phys, parameter)
    out5 = out4.reshape(lead[0], 4, 8, 8, 128)
    result = out5.transpose(0, 2, 4, 1, 3).reshape(lead + (NI, D))

    p1 = jnp.broadcast_to(jnp.arange(L1).reshape(L1, 1, 1), (L1, L2, orbit_num))
    p2 = jnp.broadcast_to(jnp.arange(L2).reshape(1, L2, 1), (L1, L2, orbit_num))
    p3 = jnp.broadcast_to(jnp.arange(orbit_num).reshape(1, 1, orbit_num),
                          (L1, L2, orbit_num))
    position = jnp.stack([p1, p2, p3]).reshape(3, NI)
    position = position.transpose(1, 0).astype(result.dtype)
    return (result, position)

# --- scband reference (transcript-rebuilt; emitter-appended) ---
"""Pipeline reference for scband-embedding-7825430413843 (READ-ONLY COPY).

The authoritative reference and input builder live on the scoring server;
editing this copy changes nothing except your own understanding.
"""

import jax, jax.numpy as jnp
import numpy as np


def setup_inputs(seed: int = 0) -> dict:
    key = jax.random.key(seed)
    k1, k2 = jax.random.split(key)
    x = jax.random.randint(k1, (1024, 16, 16, 4), 0, 100000, dtype=jnp.int32)
    parameter = jax.random.normal(k2, (100000, 32), dtype=jnp.float32)
    return {"x": x, "parameter": parameter}


def reference(x, parameter):
    L1, L2, orbit_num = x.shape[-3], x.shape[-2], x.shape[-1]
    # torch flatten(start_dim=-3): merge last three dims
    flat = x.reshape(x.shape[:-3] + (L1 * L2 * orbit_num,))
    # gather rows from the embedding table
    result = jnp.take(parameter, flat, axis=0)
    # position tensor: stack of 3 coordinate grids, flatten last 3 dims, transpose(0,1)
    p1 = jnp.broadcast_to(jnp.arange(L1).reshape(L1, 1, 1), (L1, L2, orbit_num))
    p2 = jnp.broadcast_to(jnp.arange(L2).reshape(1, L2, 1), (L1, L2, orbit_num))
    p3 = jnp.broadcast_to(jnp.arange(orbit_num).reshape(1, 1, orbit_num), (L1, L2, orbit_num))
    position = jnp.stack([p1, p2, p3])  # [3, L1, L2, orbit_num]
    position = position.reshape(3, L1 * L2 * orbit_num)  # flatten(start_dim=-3)
    position = position.transpose(1, 0).astype(result.dtype)  # [L1*L2*orbit_num, 3]
    return (result, position)

if __name__ == "__main__":
    import jax
    _d = setup_inputs()
    print(jax.jit(kernel)(*tuple(_d.values())))

</pallas_src>

<mosaic_0001>
#map = affine_map<(d0, d1) -> (0, 0, 0, 0, 0)>
#map1 = affine_map<(d0, d1) -> (0, 0)>
#map2 = affine_map<(d0, d1) -> (0, 0, 0, 0)>
module attributes {stable_mosaic.version = 14 : i64} {
  func.func @gather_kernel(%arg0: i32, %arg1: i32, %arg2: memref<16x16x8x4x128xi32, #tpu.memory_space<hbm>>, %arg3: memref<100000x32xf32, #tpu.memory_space<hbm>>, %arg4: memref<1024x32x8x128xf32, #tpu.memory_space<hbm>>, %arg5: memref<16x8x4x32xi32, #tpu.memory_space<vmem>>, %arg6: memref<32x1041xi32, #tpu.memory_space<vmem>>, %arg7: memref<512x32xf32, #tpu.memory_space<vmem>>, %arg8: memref<512x32xf32, #tpu.memory_space<vmem>>, %arg9: memref<32x9x137xf32, #tpu.memory_space<vmem>>, %arg10: memref<!tpu.dma_semaphore, #tpu.memory_space<semaphore_mem>>, %arg11: memref<!tpu.dma_semaphore, #tpu.memory_space<semaphore_mem>>, %arg12: memref<!tpu.dma_semaphore, #tpu.memory_space<semaphore_mem>>) attributes {dimension_semantics = [#tpu.dimension_semantics<core_parallel>, #tpu.dimension_semantics<subcore_parallel>], iteration_bounds = array<i64: 2, 16>, scalar_prefetch = 0 : i64, scratch_operands = 8 : i64, tpu.core_type = #tpu.core_type<sc_vector_subcore>, window_params = [{transform_indices = #map}, {transform_indices = #map1}, {transform_indices = #map2}]} {
    %mul3A = arith.constant 2 : i32
    %mul3A_0 = arith.muli %arg1, %mul3A : i32
    %add3A = arith.addi %mul3A_0, %arg0 : i32
    %jit3A = arith.constant 4 : i32
    %div3A = arith.divsi %add3A, %jit3A : i32
    %sign3A = arith.constant 0 : i32
    %sign3A_1 = arith.cmpi sgt, %add3A, %sign3A : i32
    %sign3A_2 = arith.extui %sign3A_1 : i1 to i32
    %sign3A_3 = arith.constant 0 : i32
    %sign3A_4 = arith.cmpi slt, %add3A, %sign3A_3 : i32
    %sign3A_5 = arith.extui %sign3A_4 : i1 to i32
    %sign3A_6 = arith.subi %sign3A_2, %sign3A_5 : i32
    %sign3A_7 = arith.constant 0 : i32
    %sign3A_8 = arith.cmpi sgt, %jit3A, %sign3A_7 : i32
    %sign3A_9 = arith.extui %sign3A_8 : i1 to i32
    %sign3A_10 = arith.constant 0 : i32
    %sign3A_11 = arith.cmpi slt, %jit3A, %sign3A_10 : i32
    %sign3A_12 = arith.extui %sign3A_11 : i1 to i32
    %sign3A_13 = arith.subi %sign3A_9, %sign3A_12 : i32
    %ne3A = arith.cmpi ne, %sign3A_6, %sign3A_13 : i32
    %rem3A = arith.remsi %add3A, %jit3A : i32
    %ne3A_14 = arith.constant 0 : i32
    %ne3A_15 = arith.cmpi ne, %rem3A, %ne3A_14 : i32
    %and3A = arith.andi %ne3A, %ne3A_15 : i1
    %sub3A = arith.constant 1 : i32
    %sub3A_16 = arith.subi %div3A, %sub3A : i32
    %select_n3A = arith.select %and3A, %sub3A_16, %div3A : i32
    %jit3A_17 = arith.constant 4 : i32
    %eq3A = arith.constant 0 : i32
    %eq3A_18 = arith.cmpi eq, %jit3A_17, %eq3A : i32
    %jit3A_19 = arith.constant 1 : i32
    %select_n3A_20 = arith.select %eq3A_18, %jit3A_19, %jit3A_17 : i32
    %rem3A_21 = arith.remsi %add3A, %select_n3A_20 : i32
    %ne3A_22 = arith.constant 0 : i32
    %ne3A_23 = arith.cmpi ne, %rem3A_21, %ne3A_22 : i32
    %lt3A = arith.constant 0 : i32
    %lt3A_24 = arith.cmpi slt, %rem3A_21, %lt3A : i32
    %lt3A_25 = arith.constant 0 : i32
    %lt3A_26 = arith.cmpi slt, %select_n3A_20, %lt3A_25 : i32
    %ne3A_27 = arith.xori %lt3A_24, %lt3A_26 : i1
    %and3A_28 = arith.andi %ne3A_27, %ne3A_23 : i1
    %add3A_29 = arith.addi %rem3A_21, %select_n3A_20 : i32
    %select_n3A_30 = arith.select %and3A_28, %add3A_29, %rem3A_21 : i32
    %mul3A_31 = arith.constant 32 : i32
    %mul3A_32 = arith.muli %select_n3A_30, %mul3A_31 : i32
    %iota3A = tpu.iota {dimensions = array<i32: 0>} : vector<16xi32>
    %add3A_33 = arith.constant 16 : i32
    %add3A_34 = vector.broadcast %add3A_33 : i32 to vector<16xi32>
    %add3A_35 = arith.addi %iota3A, %add3A_34 : vector<16xi32>
    "tpu.region"() ({
      %run_scoped3A = tpu.sem_alloc : memref<!tpu.dma_semaphore, #tpu.memory_space<semaphore_mem>>
      %dma_start3A_114 = arith.constant 0 : i32
      %dma_start3A_115 = arith.constant 0 : i32
      %dma_start3A_116 = arith.constant 0 : i32
      %dma_start3A_117 = tpu.memref_slice %arg2[%dma_start3A_114, %dma_start3A_115, %select_n3A, %dma_start3A_116, %mul3A_32] : memref<16x16x8x4x128xi32, #tpu.memory_space<hbm>> -> memref<16x8x1x4x32xi32, #tpu.memory_space<hbm>>
      %dma_start3A_118 = tpu.memref_squeeze %dma_start3A_117 : memref<16x8x1x4x32xi32, #tpu.memory_space<hbm>> -> memref<16x8x4x32xi32, #tpu.memory_space<hbm>>
      %dma_start3A_119 = arith.constant 0 : i32
      %dma_start3A_120 = arith.constant 0 : i32
      %dma_start3A_121 = arith.constant 0 : i32
      %dma_start3A_122 = tpu.memref_slice %arg2[%dma_start3A_119, %dma_start3A_120, %select_n3A, %dma_start3A_121, %mul3A_32] : memref<16x16x8x4x128xi32, #tpu.memory_space<hbm>> -> memref<16x8x1x4x32xi32, #tpu.memory_space<hbm>>
      %dma_start3A_123 = tpu.memref_squeeze %dma_start3A_122 : memref<16x8x1x4x32xi32, #tpu.memory_space<hbm>> -> memref<16x8x4x32xi32, #tpu.memory_space<hbm>>
      tpu.enqueue_dma source(%dma_start3A_123 : memref<16x8x4x32xi32, #tpu.memory_space<hbm>>) target(%arg5 : memref<16x8x4x32xi32, #tpu.memory_space<vmem>>) target_semaphore(%run_scoped3A : memref<!tpu.dma_semaphore, #tpu.memory_space<semaphore_mem>>)
      %dma_wait3A_124 = arith.constant 0 : i32
      %dma_wait3A_125 = arith.constant 0 : i32
      %dma_wait3A_126 = arith.constant 0 : i32
      %dma_wait3A_127 = tpu.memref_slice %arg2[%dma_wait3A_124, %dma_wait3A_125, %select_n3A, %dma_wait3A_126, %mul3A_32] : memref<16x16x8x4x128xi32, #tpu.memory_space<hbm>> -> memref<16x8x1x4x32xi32, #tpu.memory_space<hbm>>
      %dma_wait3A_128 = tpu.memref_squeeze %dma_wait3A_127 : memref<16x8x1x4x32xi32, #tpu.memory_space<hbm>> -> memref<16x8x4x32xi32, #tpu.memory_space<hbm>>
      %dma_wait3A_129 = arith.constant 0 : i32
      %dma_wait3A_130 = arith.constant 0 : i32
      %dma_wait3A_131 = arith.constant 0 : i32
      %dma_wait3A_132 = tpu.memref_slice %arg2[%dma_wait3A_129, %dma_wait3A_130, %select_n3A, %dma_wait3A_131, %mul3A_32] : memref<16x16x8x4x128xi32, #tpu.memory_space<hbm>> -> memref<16x8x1x4x32xi32, #tpu.memory_space<hbm>>
      %dma_wait3A_133 = tpu.memref_squeeze %dma_wait3A_132 : memref<16x8x1x4x32xi32, #tpu.memory_space<hbm>> -> memref<16x8x4x32xi32, #tpu.memory_space<hbm>>
      tpu.wait_dma2 semaphore(%run_scoped3A : memref<!tpu.dma_semaphore, #tpu.memory_space<semaphore_mem>>) src(%dma_wait3A_133 : memref<16x8x4x32xi32, #tpu.memory_space<hbm>>) dst(%arg5 : memref<16x8x4x32xi32, #tpu.memory_space<vmem>>)
      tpu.yield
    }) : () -> ()
    %parallel_loop3A = arith.constant 0 : i32
    %parallel_loop3A_36 = arith.constant 128 : i32
    %parallel_loop3A_37 = arith.constant 1 : i32
    scf.for %parallel_loop3A_114 = %parallel_loop3A to %parallel_loop3A_36 step %parallel_loop3A_37  : i32 {
      %parallel_loop3A_115 = arith.constant 3 : i32
      %parallel_loop3A_116 = arith.shrsi %parallel_loop3A_114, %parallel_loop3A_115 : i32
      %parallel_loop3A_117 = arith.constant 7 : i32
      %parallel_loop3A_118 = arith.andi %parallel_loop3A_114, %parallel_loop3A_117 : i32
      %parallel_loop3A_119 = arith.constant 16 : i32
      %parallel_loop3A_120 = arith.muli %parallel_loop3A_116, %parallel_loop3A_119 : i32
      %parallel_loop3A_121 = arith.constant 0 : i32
      %parallel_loop3A_122 = arith.addi %parallel_loop3A_120, %parallel_loop3A_121 : i32
      %parallel_loop3A_123 = arith.addi %parallel_loop3A_122, %parallel_loop3A_118 : i32
      %parallel_loop3A_124 = arith.constant 4 : i32
      %parallel_loop3A_125 = arith.muli %parallel_loop3A_123, %parallel_loop3A_124 : i32
      %parallel_loop3A_126 = arith.constant 0 : i32
      %parallel_loop3A_127 = arith.addi %parallel_loop3A_125, %parallel_loop3A_126 : i32
      %parallel_loop3A_128 = vector.broadcast %parallel_loop3A_127 : i32 to vector<16xi32>
      %parallel_loop3A_129 = arith.constant 0 : i32
      %parallel_loop3A_130 = arith.index_cast %parallel_loop3A_116 : i32 to index
      %parallel_loop3A_131 = arith.index_cast %parallel_loop3A_118 : i32 to index
      %parallel_loop3A_132 = arith.index_cast %parallel_loop3A_129 : i32 to index
      %parallel_loop3A_133 = arith.constant 0 : index
      %parallel_loop3A_134 = tpu.vector_load %arg5[%parallel_loop3A_130, %parallel_loop3A_131, %parallel_loop3A_132, %parallel_loop3A_133] {strides = array<i32>} : memref<16x8x4x32xi32, #tpu.memory_space<vmem>>, vector<16xi32>,
      tpu.vector_store_idx %arg6[%iota3A, %parallel_loop3A_128], %parallel_loop3A_134 : memref<32x1041xi32, #tpu.memory_space<vmem>>[vector<16xi32>, vector<16xi32>], vector<16xi32>,
      %parallel_loop3A_135 = arith.constant 0 : i32
      %parallel_loop3A_136 = arith.index_cast %parallel_loop3A_116 : i32 to index
      %parallel_loop3A_137 = arith.index_cast %parallel_loop3A_118 : i32 to index
      %parallel_loop3A_138 = arith.index_cast %parallel_loop3A_135 : i32 to index
      %parallel_loop3A_139 = arith.constant 16 : index
      %parallel_loop3A_140 = tpu.vector_load %arg5[%parallel_loop3A_136, %parallel_loop3A_137, %parallel_loop3A_138, %parallel_loop3A_139] {strides = array<i32>} : memref<16x8x4x32xi32, #tpu.memory_space<vmem>>, vector<16xi32>,
      tpu.vector_store_idx %arg6[%add3A_35, %parallel_loop3A_128], %parallel_loop3A_140 : memref<32x1041xi32, #tpu.memory_space<vmem>>[vector<16xi32>, vector<16xi32>], vector<16xi32>,
      %parallel_loop3A_141 = arith.constant 1 : i32
      %parallel_loop3A_142 = arith.addi %parallel_loop3A_125, %parallel_loop3A_141 : i32
      %parallel_loop3A_143 = vector.broadcast %parallel_loop3A_142 : i32 to vector<16xi32>
      %parallel_loop3A_144 = arith.constant 1 : i32
      %parallel_loop3A_145 = arith.index_cast %parallel_loop3A_116 : i32 to index
      %parallel_loop3A_146 = arith.index_cast %parallel_loop3A_118 : i32 to index
      %parallel_loop3A_147 = arith.index_cast %parallel_loop3A_144 : i32 to index
      %parallel_loop3A_148 = arith.constant 0 : index
      %parallel_loop3A_149 = tpu.vector_load %arg5[%parallel_loop3A_145, %parallel_loop3A_146, %parallel_loop3A_147, %parallel_loop3A_148] {strides = array<i32>} : memref<16x8x4x32xi32, #tpu.memory_space<vmem>>, vector<16xi32>,
      tpu.vector_store_idx %arg6[%iota3A, %parallel_loop3A_143], %parallel_loop3A_149 : memref<32x1041xi32, #tpu.memory_space<vmem>>[vector<16xi32>, vector<16xi32>], vector<16xi32>,
      %parallel_loop3A_150 = arith.constant 1 : i32
      %parallel_loop3A_151 = arith.index_cast %parallel_loop3A_116 : i32 to index
      %parallel_loop3A_152 = arith.index_cast %parallel_loop3A_118 : i32 to index
      %parallel_loop3A_153 = arith.index_cast %parallel_loop3A_150 : i32 to index
      %parallel_loop3A_154 = arith.constant 16 : index
      %parallel_loop3A_155 = tpu.vector_load %arg5[%parallel_loop3A_151, %parallel_loop3A_152, %parallel_loop3A_153, %parallel_loop3A_154] {strides = array<i32>} : memref<16x8x4x32xi32, #tpu.memory_space<vmem>>, vector<16xi32>,
      tpu.vector_store_idx %arg6[%add3A_35, %parallel_loop3A_143], %parallel_loop3A_155 : memref<32x1041xi32, #tpu.memory_space<vmem>>[vector<16xi32>, vector<16xi32>], vector<16xi32>,
      %parallel_loop3A_156 = arith.constant 2 : i32
      %parallel_loop3A_157 = arith.addi %parallel_loop3A_125, %parallel_loop3A_156 : i32
      %parallel_loop3A_158 = vector.broadcast %parallel_loop3A_157 : i32 to vector<16xi32>
      %parallel_loop3A_159 = arith.constant 2 : i32
      %parallel_loop3A_160 = arith.index_cast %parallel_loop3A_116 : i32 to index
      %parallel_loop3A_161 = arith.index_cast %parallel_loop3A_118 : i32 to index
      %parallel_loop3A_162 = arith.index_cast %parallel_loop3A_159 : i32 to index
      %parallel_loop3A_163 = arith.constant 0 : index
      %parallel_loop3A_164 = tpu.vector_load %arg5[%parallel_loop3A_160, %parallel_loop3A_161, %parallel_loop3A_162, %parallel_loop3A_163] {strides = array<i32>} : memref<16x8x4x32xi32, #tpu.memory_space<vmem>>, vector<16xi32>,
      tpu.vector_store_idx %arg6[%iota3A, %parallel_loop3A_158], %parallel_loop3A_164 : memref<32x1041xi32, #tpu.memory_space<vmem>>[vector<16xi32>, vector<16xi32>], vector<16xi32>,
      %parallel_loop3A_165 = arith.constant 2 : i32
      %parallel_loop3A_166 = arith.index_cast %parallel_loop3A_116 : i32 to index
      %parallel_loop3A_167 = arith.index_cast %parallel_loop3A_118 : i32 to index
      %parallel_loop3A_168 = arith.index_cast %parallel_loop3A_165 : i32 to index
      %parallel_loop3A_169 = arith.constant 16 : index
      %parallel_loop3A_170 = tpu.vector_load %arg5[%parallel_loop3A_166, %parallel_loop3A_167, %parallel_loop3A_168, %parallel_loop3A_169] {strides = array<i32>} : memref<16x8x4x32xi32, #tpu.memory_space<vmem>>, vector<16xi32>,
      tpu.vector_store_idx %arg6[%add3A_35, %parallel_loop3A_158], %parallel_loop3A_170 : memref<32x1041xi32, #tpu.memory_space<vmem>>[vector<16xi32>, vector<16xi32>], vector<16xi32>,
      %parallel_loop3A_171 = arith.constant 3 : i32
      %parallel_loop3A_172 = arith.addi %parallel_loop3A_125, %parallel_loop3A_171 : i32
      %parallel_loop3A_173 = vector.broadcast %parallel_loop3A_172 : i32 to vector<16xi32>
      %parallel_loop3A_174 = arith.constant 3 : i32
      %parallel_loop3A_175 = arith.index_cast %parallel_loop3A_116 : i32 to index
      %parallel_loop3A_176 = arith.index_cast %parallel_loop3A_118 : i32 to index
      %parallel_loop3A_177 = arith.index_cast %parallel_loop3A_174 : i32 to index
      %parallel_loop3A_178 = arith.constant 0 : index
      %parallel_loop3A_179 = tpu.vector_load %arg5[%parallel_loop3A_175, %parallel_loop3A_176, %parallel_loop3A_177, %parallel_loop3A_178] {strides = array<i32>} : memref<16x8x4x32xi32, #tpu.memory_space<vmem>>, vector<16xi32>,
      tpu.vector_store_idx %arg6[%iota3A, %parallel_loop3A_173], %parallel_loop3A_179 : memref<32x1041xi32, #tpu.memory_space<vmem>>[vector<16xi32>, vector<16xi32>], vector<16xi32>,
      %parallel_loop3A_180 = arith.constant 3 : i32
      %parallel_loop3A_181 = arith.index_cast %parallel_loop3A_116 : i32 to index
      %parallel_loop3A_182 = arith.index_cast %parallel_loop3A_118 : i32 to index
      %parallel_loop3A_183 = arith.index_cast %parallel_loop3A_180 : i32 to index
      %parallel_loop3A_184 = arith.constant 16 : index
      %parallel_loop3A_185 = tpu.vector_load %arg5[%parallel_loop3A_181, %parallel_loop3A_182, %parallel_loop3A_183, %parallel_loop3A_184] {strides = array<i32>} : memref<16x8x4x32xi32, #tpu.memory_space<vmem>>, vector<16xi32>,
      tpu.vector_store_idx %arg6[%add3A_35, %parallel_loop3A_173], %parallel_loop3A_185 : memref<32x1041xi32, #tpu.memory_space<vmem>>[vector<16xi32>, vector<16xi32>], vector<16xi32>,
    } {sc.loop_unroll_factor = 4 : i64, sc.parallel_access}
    "tpu.region"() ({
      %run_scoped3A = tpu.sem_alloc : memref<!tpu.dma_semaphore, #tpu.memory_space<semaphore_mem>>
      %dma_start3A_114 = arith.constant 0 : i32
      %dma_start3A_115 = arith.constant 8 : i32
      %dma_start3A_116 = arith.constant 0 : i32
      %dma_start3A_117 = tpu.memref_slice %arg2[%dma_start3A_114, %dma_start3A_115, %select_n3A, %dma_start3A_116, %mul3A_32] : memref<16x16x8x4x128xi32, #tpu.memory_space<hbm>> -> memref<16x8x1x4x32xi32, #tpu.memory_space<hbm>>
      %dma_start3A_118 = tpu.memref_squeeze %dma_start3A_117 : memref<16x8x1x4x32xi32, #tpu.memory_space<hbm>> -> memref<16x8x4x32xi32, #tpu.memory_space<hbm>>
      %dma_start3A_119 = arith.constant 0 : i32
      %dma_start3A_120 = arith.constant 8 : i32
      %dma_start3A_121 = arith.constant 0 : i32
      %dma_start3A_122 = tpu.memref_slice %arg2[%dma_start3A_119, %dma_start3A_120, %select_n3A, %dma_start3A_121, %mul3A_32] : memref<16x16x8x4x128xi32, #tpu.memory_space<hbm>> -> memref<16x8x1x4x32xi32, #tpu.memory_space<hbm>>
      %dma_start3A_123 = tpu.memref_squeeze %dma_start3A_122 : memref<16x8x1x4x32xi32, #tpu.memory_space<hbm>> -> memref<16x8x4x32xi32, #tpu.memory_space<hbm>>
      tpu.enqueue_dma source(%dma_start3A_123 : memref<16x8x4x32xi32, #tpu.memory_space<hbm>>) target(%arg5 : memref<16x8x4x32xi32, #tpu.memory_space<vmem>>) target_semaphore(%run_scoped3A : memref<!tpu.dma_semaphore, #tpu.memory_space<semaphore_mem>>)
      %dma_wait3A_124 = arith.constant 0 : i32
      %dma_wait3A_125 = arith.constant 8 : i32
      %dma_wait3A_126 = arith.constant 0 : i32
      %dma_wait3A_127 = tpu.memref_slice %arg2[%dma_wait3A_124, %dma_wait3A_125, %select_n3A, %dma_wait3A_126, %mul3A_32] : memref<16x16x8x4x128xi32, #tpu.memory_space<hbm>> -> memref<16x8x1x4x32xi32, #tpu.memory_space<hbm>>
      %dma_wait3A_128 = tpu.memref_squeeze %dma_wait3A_127 : memref<16x8x1x4x32xi32, #tpu.memory_space<hbm>> -> memref<16x8x4x32xi32, #tpu.memory_space<hbm>>
      %dma_wait3A_129 = arith.constant 0 : i32
      %dma_wait3A_130 = arith.constant 8 : i32
      %dma_wait3A_131 = arith.constant 0 : i32
      %dma_wait3A_132 = tpu.memref_slice %arg2[%dma_wait3A_129, %dma_wait3A_130, %select_n3A, %dma_wait3A_131, %mul3A_32] : memref<16x16x8x4x128xi32, #tpu.memory_space<hbm>> -> memref<16x8x1x4x32xi32, #tpu.memory_space<hbm>>
      %dma_wait3A_133 = tpu.memref_squeeze %dma_wait3A_132 : memref<16x8x1x4x32xi32, #tpu.memory_space<hbm>> -> memref<16x8x4x32xi32, #tpu.memory_space<hbm>>
      tpu.wait_dma2 semaphore(%run_scoped3A : memref<!tpu.dma_semaphore, #tpu.memory_space<semaphore_mem>>) src(%dma_wait3A_133 : memref<16x8x4x32xi32, #tpu.memory_space<hbm>>) dst(%arg5 : memref<16x8x4x32xi32, #tpu.memory_space<vmem>>)
      tpu.yield
    }) : () -> ()
    %parallel_loop3A_38 = arith.constant 0 : i32
    %parallel_loop3A_39 = arith.constant 128 : i32
    %parallel_loop3A_40 = arith.constant 1 : i32
    scf.for %parallel_loop3A_114 = %parallel_loop3A_38 to %parallel_loop3A_39 step %parallel_loop3A_40  : i32 {
      %parallel_loop3A_115 = arith.constant 3 : i32
      %parallel_loop3A_116 = arith.shrsi %parallel_loop3A_114, %parallel_loop3A_115 : i32
      %parallel_loop3A_117 = arith.constant 7 : i32
      %parallel_loop3A_118 = arith.andi %parallel_loop3A_114, %parallel_loop3A_117 : i32
      %parallel_loop3A_119 = arith.constant 16 : i32
      %parallel_loop3A_120 = arith.muli %parallel_loop3A_116, %parallel_loop3A_119 : i32
      %parallel_loop3A_121 = arith.constant 8 : i32
      %parallel_loop3A_122 = arith.addi %parallel_loop3A_120, %parallel_loop3A_121 : i32
      %parallel_loop3A_123 = arith.addi %parallel_loop3A_122, %parallel_loop3A_118 : i32
      %parallel_loop3A_124 = arith.constant 4 : i32
      %parallel_loop3A_125 = arith.muli %parallel_loop3A_123, %parallel_loop3A_124 : i32
      %parallel_loop3A_126 = arith.constant 0 : i32
      %parallel_loop3A_127 = arith.addi %parallel_loop3A_125, %parallel_loop3A_126 : i32
      %parallel_loop3A_128 = vector.broadcast %parallel_loop3A_127 : i32 to vector<16xi32>
      %parallel_loop3A_129 = arith.constant 0 : i32
      %parallel_loop3A_130 = arith.index_cast %parallel_loop3A_116 : i32 to index
      %parallel_loop3A_131 = arith.index_cast %parallel_loop3A_118 : i32 to index
      %parallel_loop3A_132 = arith.index_cast %parallel_loop3A_129 : i32 to index
      %parallel_loop3A_133 = arith.constant 0 : index
      %parallel_loop3A_134 = tpu.vector_load %arg5[%parallel_loop3A_130, %parallel_loop3A_131, %parallel_loop3A_132, %parallel_loop3A_133] {strides = array<i32>} : memref<16x8x4x32xi32, #tpu.memory_space<vmem>>, vector<16xi32>,
      tpu.vector_store_idx %arg6[%iota3A, %parallel_loop3A_128], %parallel_loop3A_134 : memref<32x1041xi32, #tpu.memory_space<vmem>>[vector<16xi32>, vector<16xi32>], vector<16xi32>,
      %parallel_loop3A_135 = arith.constant 0 : i32
      %parallel_loop3A_136 = arith.index_cast %parallel_loop3A_116 : i32 to index
      %parallel_loop3A_137 = arith.index_cast %parallel_loop3A_118 : i32 to index
      %parallel_loop3A_138 = arith.index_cast %parallel_loop3A_135 : i32 to index
      %parallel_loop3A_139 = arith.constant 16 : index
      %parallel_loop3A_140 = tpu.vector_load %arg5[%parallel_loop3A_136, %parallel_loop3A_137, %parallel_loop3A_138, %parallel_loop3A_139] {strides = array<i32>} : memref<16x8x4x32xi32, #tpu.memory_space<vmem>>, vector<16xi32>,
      tpu.vector_store_idx %arg6[%add3A_35, %parallel_loop3A_128], %parallel_loop3A_140 : memref<32x1041xi32, #tpu.memory_space<vmem>>[vector<16xi32>, vector<16xi32>], vector<16xi32>,
      %parallel_loop3A_141 = arith.constant 1 : i32
      %parallel_loop3A_142 = arith.addi %parallel_loop3A_125, %parallel_loop3A_141 : i32
      %parallel_loop3A_143 = vector.broadcast %parallel_loop3A_142 : i32 to vector<16xi32>
      %parallel_loop3A_144 = arith.constant 1 : i32
      %parallel_loop3A_145 = arith.index_cast %parallel_loop3A_116 : i32 to index
      %parallel_loop3A_146 = arith.index_cast %parallel_loop3A_118 : i32 to index
      %parallel_loop3A_147 = arith.index_cast %parallel_loop3A_144 : i32 to index
      %parallel_loop3A_148 = arith.constant 0 : index
      %parallel_loop3A_149 = tpu.vector_load %arg5[%parallel_loop3A_145, %parallel_loop3A_146, %parallel_loop3A_147, %parallel_loop3A_148] {strides = array<i32>} : memref<16x8x4x32xi32, #tpu.memory_space<vmem>>, vector<16xi32>,
      tpu.vector_store_idx %arg6[%iota3A, %parallel_loop3A_143], %parallel_loop3A_149 : memref<32x1041xi32, #tpu.memory_space<vmem>>[vector<16xi32>, vector<16xi32>], vector<16xi32>,
      %parallel_loop3A_150 = arith.constant 1 : i32
      %parallel_loop3A_151 = arith.index_cast %parallel_loop3A_116 : i32 to index
      %parallel_loop3A_152 = arith.index_cast %parallel_loop3A_118 : i32 to index
      %parallel_loop3A_153 = arith.index_cast %parallel_loop3A_150 : i32 to index
      %parallel_loop3A_154 = arith.constant 16 : index
      %parallel_loop3A_155 = tpu.vector_load %arg5[%parallel_loop3A_151, %parallel_loop3A_152, %parallel_loop3A_153, %parallel_loop3A_154] {strides = array<i32>} : memref<16x8x4x32xi32, #tpu.memory_space<vmem>>, vector<16xi32>,
      tpu.vector_store_idx %arg6[%add3A_35, %parallel_loop3A_143], %parallel_loop3A_155 : memref<32x1041xi32, #tpu.memory_space<vmem>>[vector<16xi32>, vector<16xi32>], vector<16xi32>,
      %parallel_loop3A_156 = arith.constant 2 : i32
      %parallel_loop3A_157 = arith.addi %parallel_loop3A_125, %parallel_loop3A_156 : i32
      %parallel_loop3A_158 = vector.broadcast %parallel_loop3A_157 : i32 to vector<16xi32>
      %parallel_loop3A_159 = arith.constant 2 : i32
      %parallel_loop3A_160 = arith.index_cast %parallel_loop3A_116 : i32 to index
      %parallel_loop3A_161 = arith.index_cast %parallel_loop3A_118 : i32 to index
      %parallel_loop3A_162 = arith.index_cast %parallel_loop3A_159 : i32 to index
      %parallel_loop3A_163 = arith.constant 0 : index
      %parallel_loop3A_164 = tpu.vector_load %arg5[%parallel_loop3A_160, %parallel_loop3A_161, %parallel_loop3A_162, %parallel_loop3A_163] {strides = array<i32>} : memref<16x8x4x32xi32, #tpu.memory_space<vmem>>, vector<16xi32>,
      tpu.vector_store_idx %arg6[%iota3A, %parallel_loop3A_158], %parallel_loop3A_164 : memref<32x1041xi32, #tpu.memory_space<vmem>>[vector<16xi32>, vector<16xi32>], vector<16xi32>,
      %parallel_loop3A_165 = arith.constant 2 : i32
      %parallel_loop3A_166 = arith.index_cast %parallel_loop3A_116 : i32 to index
      %parallel_loop3A_167 = arith.index_cast %parallel_loop3A_118 : i32 to index
      %parallel_loop3A_168 = arith.index_cast %parallel_loop3A_165 : i32 to index
      %parallel_loop3A_169 = arith.constant 16 : index
      %parallel_loop3A_170 = tpu.vector_load %arg5[%parallel_loop3A_166, %parallel_loop3A_167, %parallel_loop3A_168, %parallel_loop3A_169] {strides = array<i32>} : memref<16x8x4x32xi32, #tpu.memory_space<vmem>>, vector<16xi32>,
      tpu.vector_store_idx %arg6[%add3A_35, %parallel_loop3A_158], %parallel_loop3A_170 : memref<32x1041xi32, #tpu.memory_space<vmem>>[vector<16xi32>, vector<16xi32>], vector<16xi32>,
      %parallel_loop3A_171 = arith.constant 3 : i32
      %parallel_loop3A_172 = arith.addi %parallel_loop3A_125, %parallel_loop3A_171 : i32
      %parallel_loop3A_173 = vector.broadcast %parallel_loop3A_172 : i32 to vector<16xi32>
      %parallel_loop3A_174 = arith.constant 3 : i32
      %parallel_loop3A_175 = arith.index_cast %parallel_loop3A_116 : i32 to index
      %parallel_loop3A_176 = arith.index_cast %parallel_loop3A_118 : i32 to index
      %parallel_loop3A_177 = arith.index_cast %parallel_loop3A_174 : i32 to index
      %parallel_loop3A_178 = arith.constant 0 : index
      %parallel_loop3A_179 = tpu.vector_load %arg5[%parallel_loop3A_175, %parallel_loop3A_176, %parallel_loop3A_177, %parallel_loop3A_178] {strides = array<i32>} : memref<16x8x4x32xi32, #tpu.memory_space<vmem>>, vector<16xi32>,
      tpu.vector_store_idx %arg6[%iota3A, %parallel_loop3A_173], %parallel_loop3A_179 : memref<32x1041xi32, #tpu.memory_space<vmem>>[vector<16xi32>, vector<16xi32>], vector<16xi32>,
      %parallel_loop3A_180 = arith.constant 3 : i32
      %parallel_loop3A_181 = arith.index_cast %parallel_loop3A_116 : i32 to index
      %parallel_loop3A_182 = arith.index_cast %parallel_loop3A_118 : i32 to index
      %parallel_loop3A_183 = arith.index_cast %parallel_loop3A_180 : i32 to index
      %parallel_loop3A_184 = arith.constant 16 : index
      %parallel_loop3A_185 = tpu.vector_load %arg5[%parallel_loop3A_181, %parallel_loop3A_182, %parallel_loop3A_183, %parallel_loop3A_184] {strides = array<i32>} : memref<16x8x4x32xi32, #tpu.memory_space<vmem>>, vector<16xi32>,
      tpu.vector_store_idx %arg6[%add3A_35, %parallel_loop3A_173], %parallel_loop3A_185 : memref<32x1041xi32, #tpu.memory_space<vmem>>[vector<16xi32>, vector<16xi32>], vector<16xi32>,
    } {sc.loop_unroll_factor = 4 : i64, sc.parallel_access}
    %shift_right_arithmetic3A = arith.constant 3 : i32
    %shift_right_arithmetic3A_41 = vector.broadcast %shift_right_arithmetic3A : i32 to vector<16xi32>
    %shift_right_arithmetic3A_42 = arith.shrsi %iota3A, %shift_right_arithmetic3A_41 : vector<16xi32>
    %mul3A_43 = arith.constant 8 : i32
    %mul3A_44 = vector.broadcast %mul3A_43 : i32 to vector<16xi32>
    %mul3A_45 = arith.muli %shift_right_arithmetic3A_42, %mul3A_44 : vector<16xi32>
    %and3A_46 = arith.constant 7 : i32
    %and3A_47 = vector.broadcast %and3A_46 : i32 to vector<16xi32>
    %and3A_48 = arith.andi %iota3A, %and3A_47 : vector<16xi32>
    %dma_start3A = arith.constant 0 : i32
    %dma_start3A_49 = arith.constant 0 : i32
    %dma_start3A_50 = arith.constant 0 : i32
    %dma_start3A_51 = tpu.memref_slice %arg7[%dma_start3A_49, %dma_start3A_50] : memref<512x32xf32, #tpu.memory_space<vmem>> -> memref<128x32xf32, #tpu.memory_space<vmem>>
    %dma_start3A_52 = arith.constant 0 : i32
    %dma_start3A_53 = tpu.memref_slice %arg6[%dma_start3A, %dma_start3A_52] : memref<32x1041xi32, #tpu.memory_space<vmem>> -> memref<1x128xi32, #tpu.memory_space<vmem>>
    %dma_start3A_54 = tpu.memref_squeeze %dma_start3A_53 : memref<1x128xi32, #tpu.memory_space<vmem>> -> memref<128xi32, #tpu.memory_space<vmem>>
    %dma_start3A_55 = arith.constant 0 : i32
    %dma_start3A_56 = arith.constant 0 : i32
    %dma_start3A_57 = tpu.memref_slice %arg3[%dma_start3A_55, %dma_start3A_56] : memref<100000x32xf32, #tpu.memory_space<hbm>> -> memref<100000x32xf32, #tpu.memory_space<hbm>>
    tpu.enqueue_indirect_dma source(%dma_start3A_57 : memref<100000x32xf32, #tpu.memory_space<hbm>>) target(%dma_start3A_51 : memref<128x32xf32, #tpu.memory_space<vmem>>) offsets(%dma_start3A_54 : memref<128xi32, #tpu.memory_space<vmem>>) semaphore(%arg10 : memref<!tpu.dma_semaphore, #tpu.memory_space<semaphore_mem>>)
    %dma_start3A_58 = arith.constant 0 : i32
    %dma_start3A_59 = arith.constant 128 : i32
    %dma_start3A_60 = arith.constant 0 : i32
    %dma_start3A_61 = tpu.memref_slice %arg7[%dma_start3A_59, %dma_start3A_60] : memref<512x32xf32, #tpu.memory_space<vmem>> -> memref<128x32xf32, #tpu.memory_space<vmem>>
    %dma_start3A_62 = arith.constant 128 : i32
    %dma_start3A_63 = tpu.memref_slice %arg6[%dma_start3A_58, %dma_start3A_62] : memref<32x1041xi32, #tpu.memory_space<vmem>> -> memref<1x128xi32, #tpu.memory_space<vmem>>
    %dma_start3A_64 = tpu.memref_squeeze %dma_start3A_63 : memref<1x128xi32, #tpu.memory_space<vmem>> -> memref<128xi32, #tpu.memory_space<vmem>>
    %dma_start3A_65 = arith.constant 0 : i32
    %dma_start3A_66 = arith.constant 0 : i32
    %dma_start3A_67 = tpu.memref_slice %arg3[%dma_start3A_65, %dma_start3A_66] : memref<100000x32xf32, #tpu.memory_space<hbm>> -> memref<100000x32xf32, #tpu.memory_space<hbm>>
    tpu.enqueue_indirect_dma source(%dma_start3A_67 : memref<100000x32xf32, #tpu.memory_space<hbm>>) target(%dma_start3A_61 : memref<128x32xf32, #tpu.memory_space<vmem>>) offsets(%dma_start3A_64 : memref<128xi32, #tpu.memory_space<vmem>>) semaphore(%arg10 : memref<!tpu.dma_semaphore, #tpu.memory_space<semaphore_mem>>)
    %dma_start3A_68 = arith.constant 0 : i32
    %dma_start3A_69 = arith.constant 256 : i32
    %dma_start3A_70 = arith.constant 0 : i32
    %dma_start3A_71 = tpu.memref_slice %arg7[%dma_start3A_69, %dma_start3A_70] : memref<512x32xf32, #tpu.memory_space<vmem>> -> memref<128x32xf32, #tpu.memory_space<vmem>>
    %dma_start3A_72 = arith.constant 256 : i32
    %dma_start3A_73 = tpu.memref_slice %arg6[%dma_start3A_68, %dma_start3A_72] : memref<32x1041xi32, #tpu.memory_space<vmem>> -> memref<1x128xi32, #tpu.memory_space<vmem>>
    %dma_start3A_74 = tpu.memref_squeeze %dma_start3A_73 : memref<1x128xi32, #tpu.memory_space<vmem>> -> memref<128xi32, #tpu.memory_space<vmem>>
    %dma_start3A_75 = arith.constant 0 : i32
    %dma_start3A_76 = arith.constant 0 : i32
    %dma_start3A_77 = tpu.memref_slice %arg3[%dma_start3A_75, %dma_start3A_76] : memref<100000x32xf32, #tpu.memory_space<hbm>> -> memref<100000x32xf32, #tpu.memory_space<hbm>>
    tpu.enqueue_indirect_dma source(%dma_start3A_77 : memref<100000x32xf32, #tpu.memory_space<hbm>>) target(%dma_start3A_71 : memref<128x32xf32, #tpu.memory_space<vmem>>) offsets(%dma_start3A_74 : memref<128xi32, #tpu.memory_space<vmem>>) semaphore(%arg10 : memref<!tpu.dma_semaphore, #tpu.memory_space<semaphore_mem>>)
    %dma_start3A_78 = arith.constant 0 : i32
    %dma_start3A_79 = arith.constant 384 : i32
    %dma_start3A_80 = arith.constant 0 : i32
    %dma_start3A_81 = tpu.memref_slice %arg7[%dma_start3A_79, %dma_start3A_80] : memref<512x32xf32, #tpu.memory_space<vmem>> -> memref<128x32xf32, #tpu.memory_space<vmem>>
    %dma_start3A_82 = arith.constant 384 : i32
    %dma_start3A_83 = tpu.memref_slice %arg6[%dma_start3A_78, %dma_start3A_82] : memref<32x1041xi32, #tpu.memory_space<vmem>> -> memref<1x128xi32, #tpu.memory_space<vmem>>
    %dma_start3A_84 = tpu.memref_squeeze %dma_start3A_83 : memref<1x128xi32, #tpu.memory_space<vmem>> -> memref<128xi32, #tpu.memory_space<vmem>>
    %dma_start3A_85 = arith.constant 0 : i32
    %dma_start3A_86 = arith.constant 0 : i32
    %dma_start3A_87 = tpu.memref_slice %arg3[%dma_start3A_85, %dma_start3A_86] : memref<100000x32xf32, #tpu.memory_space<hbm>> -> memref<100000x32xf32, #tpu.memory_space<hbm>>
    tpu.enqueue_indirect_dma source(%dma_start3A_87 : memref<100000x32xf32, #tpu.memory_space<hbm>>) target(%dma_start3A_81 : memref<128x32xf32, #tpu.memory_space<vmem>>) offsets(%dma_start3A_84 : memref<128xi32, #tpu.memory_space<vmem>>) semaphore(%arg10 : memref<!tpu.dma_semaphore, #tpu.memory_space<semaphore_mem>>)
    %scan3A = arith.constant 0 : i32
    %scan3A_88 = arith.constant 0 : i32
    %scan3A_89 = arith.constant 32 : i32
    %scan3A_90 = arith.addi %scan3A_88, %scan3A_89 : i32
    %scan3A_91 = arith.constant 1 : i32
    scf.for %scan3A_114 = %scan3A_88 to %scan3A_90 step %scan3A_91  : i32 {
      %dma_start3A_115 = arith.constant 0 : i32
      %dma_start3A_116 = arith.constant 0 : i32
      %dma_start3A_117 = tpu.memref_slice %arg8[%dma_start3A_115, %dma_start3A_116] : memref<512x32xf32, #tpu.memory_space<vmem>> -> memref<128x32xf32, #tpu.memory_space<vmem>>
      %dma_start3A_118 = arith.constant 512 : i32
      %dma_start3A_119 = tpu.memref_slice %arg6[%scan3A_114, %dma_start3A_118] : memref<32x1041xi32, #tpu.memory_space<vmem>> -> memref<1x128xi32, #tpu.memory_space<vmem>>
      %dma_start3A_120 = tpu.memref_squeeze %dma_start3A_119 : memref<1x128xi32, #tpu.memory_space<vmem>> -> memref<128xi32, #tpu.memory_space<vmem>>
      %dma_start3A_121 = arith.constant 0 : i32
      %dma_start3A_122 = arith.constant 0 : i32
      %dma_start3A_123 = tpu.memref_slice %arg3[%dma_start3A_121, %dma_start3A_122] : memref<100000x32xf32, #tpu.memory_space<hbm>> -> memref<100000x32xf32, #tpu.memory_space<hbm>>
      tpu.enqueue_indirect_dma source(%dma_start3A_123 : memref<100000x32xf32, #tpu.memory_space<hbm>>) target(%dma_start3A_117 : memref<128x32xf32, #tpu.memory_space<vmem>>) offsets(%dma_start3A_120 : memref<128xi32, #tpu.memory_space<vmem>>) semaphore(%arg11 : memref<!tpu.dma_semaphore, #tpu.memory_space<semaphore_mem>>)
      %dma_start3A_124 = arith.constant 128 : i32
      %dma_start3A_125 = arith.constant 0 : i32
      %dma_start3A_126 = tpu.memref_slice %arg8[%dma_start3A_124, %dma_start3A_125] : memref<512x32xf32, #tpu.memory_space<vmem>> -> memref<128x32xf32, #tpu.memory_space<vmem>>
      %dma_start3A_127 = arith.constant 640 : i32
      %dma_start3A_128 = tpu.memref_slice %arg6[%scan3A_114, %dma_start3A_127] : memref<32x1041xi32, #tpu.memory_space<vmem>> -> memref<1x128xi32, #tpu.memory_space<vmem>>
      %dma_start3A_129 = tpu.memref_squeeze %dma_start3A_128 : memref<1x128xi32, #tpu.memory_space<vmem>> -> memref<128xi32, #tpu.memory_space<vmem>>
      %dma_start3A_130 = arith.constant 0 : i32
      %dma_start3A_131 = arith.constant 0 : i32
      %dma_start3A_132 = tpu.memref_slice %arg3[%dma_start3A_130, %dma_start3A_131] : memref<100000x32xf32, #tpu.memory_space<hbm>> -> memref<100000x32xf32, #tpu.memory_space<hbm>>
      tpu.enqueue_indirect_dma source(%dma_start3A_132 : memref<100000x32xf32, #tpu.memory_space<hbm>>) target(%dma_start3A_126 : memref<128x32xf32, #tpu.memory_space<vmem>>) offsets(%dma_start3A_129 : memref<128xi32, #tpu.memory_space<vmem>>) semaphore(%arg11 : memref<!tpu.dma_semaphore, #tpu.memory_space<semaphore_mem>>)
      %dma_start3A_133 = arith.constant 256 : i32
      %dma_start3A_134 = arith.constant 0 : i32
      %dma_start3A_135 = tpu.memref_slice %arg8[%dma_start3A_133, %dma_start3A_134] : memref<512x32xf32, #tpu.memory_space<vmem>> -> memref<128x32xf32, #tpu.memory_space<vmem>>
      %dma_start3A_136 = arith.constant 768 : i32
      %dma_start3A_137 = tpu.memref_slice %arg6[%scan3A_114, %dma_start3A_136] : memref<32x1041xi32, #tpu.memory_space<vmem>> -> memref<1x128xi32, #tpu.memory_space<vmem>>
      %dma_start3A_138 = tpu.memref_squeeze %dma_start3A_137 : memref<1x128xi32, #tpu.memory_space<vmem>> -> memref<128xi32, #tpu.memory_space<vmem>>
      %dma_start3A_139 = arith.constant 0 : i32
      %dma_start3A_140 = arith.constant 0 : i32
      %dma_start3A_141 = tpu.memref_slice %arg3[%dma_start3A_139, %dma_start3A_140] : memref<100000x32xf32, #tpu.memory_space<hbm>> -> memref<100000x32xf32, #tpu.memory_space<hbm>>
      tpu.enqueue_indirect_dma source(%dma_start3A_141 : memref<100000x32xf32, #tpu.memory_space<hbm>>) target(%dma_start3A_135 : memref<128x32xf32, #tpu.memory_space<vmem>>) offsets(%dma_start3A_138 : memref<128xi32, #tpu.memory_space<vmem>>) semaphore(%arg11 : memref<!tpu.dma_semaphore, #tpu.memory_space<semaphore_mem>>)
      %dma_start3A_142 = arith.constant 384 : i32
      %dma_start3A_143 = arith.constant 0 : i32
      %dma_start3A_144 = tpu.memref_slice %arg8[%dma_start3A_142, %dma_start3A_143] : memref<512x32xf32, #tpu.memory_space<vmem>> -> memref<128x32xf32, #tpu.memory_space<vmem>>
      %dma_start3A_145 = arith.constant 896 : i32
      %dma_start3A_146 = tpu.memref_slice %arg6[%scan3A_114, %dma_start3A_145] : memref<32x1041xi32, #tpu.memory_space<vmem>> -> memref<1x128xi32, #tpu.memory_space<vmem>>
      %dma_start3A_147 = tpu.memref_squeeze %dma_start3A_146 : memref<1x128xi32, #tpu.memory_space<vmem>> -> memref<128xi32, #tpu.memory_space<vmem>>
      %dma_start3A_148 = arith.constant 0 : i32
      %dma_start3A_149 = arith.constant 0 : i32
      %dma_start3A_150 = tpu.memref_slice %arg3[%dma_start3A_148, %dma_start3A_149] : memref<100000x32xf32, #tpu.memory_space<hbm>> -> memref<100000x32xf32, #tpu.memory_space<hbm>>
      tpu.enqueue_indirect_dma source(%dma_start3A_150 : memref<100000x32xf32, #tpu.memory_space<hbm>>) target(%dma_start3A_144 : memref<128x32xf32, #tpu.memory_space<vmem>>) offsets(%dma_start3A_147 : memref<128xi32, #tpu.memory_space<vmem>>) semaphore(%arg11 : memref<!tpu.dma_semaphore, #tpu.memory_space<semaphore_mem>>)
      %dma_wait3A_151 = arith.constant 0 : i32
      %dma_wait3A_152 = arith.constant 0 : i32
      %dma_wait3A_153 = tpu.memref_slice %arg7[%dma_wait3A_151, %dma_wait3A_152] : memref<512x32xf32, #tpu.memory_space<vmem>> -> memref<128x32xf32, #tpu.memory_space<vmem>>
      %dma_wait3A_154 = arith.constant 0 : i32
      %dma_wait3A_155 = tpu.memref_slice %arg6[%scan3A_114, %dma_wait3A_154] : memref<32x1041xi32, #tpu.memory_space<vmem>> -> memref<1x128xi32, #tpu.memory_space<vmem>>
      %dma_wait3A_156 = tpu.memref_squeeze %dma_wait3A_155 : memref<1x128xi32, #tpu.memory_space<vmem>> -> memref<128xi32, #tpu.memory_space<vmem>>
      %dma_wait3A_157 = arith.constant 0 : i32
      %dma_wait3A_158 = arith.constant 0 : i32
      %dma_wait3A_159 = tpu.memref_slice %arg3[%dma_wait3A_157, %dma_wait3A_158] : memref<100000x32xf32, #tpu.memory_space<hbm>> -> memref<100000x32xf32, #tpu.memory_space<hbm>>
      tpu.wait_indirect_dma semaphore(%arg10 : memref<!tpu.dma_semaphore, #tpu.memory_space<semaphore_mem>>) src(%dma_wait3A_159 : memref<100000x32xf32, #tpu.memory_space<hbm>>) dst(%dma_wait3A_153 : memref<128x32xf32, #tpu.memory_space<vmem>>)
      %dma_wait3A_160 = arith.constant 128 : i32
      %dma_wait3A_161 = arith.constant 0 : i32
      %dma_wait3A_162 = tpu.memref_slice %arg7[%dma_wait3A_160, %dma_wait3A_161] : memref<512x32xf32, #tpu.memory_space<vmem>> -> memref<128x32xf32, #tpu.memory_space<vmem>>
      %dma_wait3A_163 = arith.constant 128 : i32
      %dma_wait3A_164 = tpu.memref_slice %arg6[%scan3A_114, %dma_wait3A_163] : memref<32x1041xi32, #tpu.memory_space<vmem>> -> memref<1x128xi32, #tpu.memory_space<vmem>>
      %dma_wait3A_165 = tpu.memref_squeeze %dma_wait3A_164 : memref<1x128xi32, #tpu.memory_space<vmem>> -> memref<128xi32, #tpu.memory_space<vmem>>
      %dma_wait3A_166 = arith.constant 0 : i32
      %dma_wait3A_167 = arith.constant 0 : i32
      %dma_wait3A_168 = tpu.memref_slice %arg3[%dma_wait3A_166, %dma_wait3A_167] : memref<100000x32xf32, #tpu.memory_space<hbm>> -> memref<100000x32xf32, #tpu.memory_space<hbm>>
      tpu.wait_indirect_dma semaphore(%arg10 : memref<!tpu.dma_semaphore, #tpu.memory_space<semaphore_mem>>) src(%dma_wait3A_168 : memref<100000x32xf32, #tpu.memory_space<hbm>>) dst(%dma_wait3A_162 : memref<128x32xf32, #tpu.memory_space<vmem>>)
      %dma_wait3A_169 = arith.constant 256 : i32
      %dma_wait3A_170 = arith.constant 0 : i32
      %dma_wait3A_171 = tpu.memref_slice %arg7[%dma_wait3A_169, %dma_wait3A_170] : memref<512x32xf32, #tpu.memory_space<vmem>> -> memref<128x32xf32, #tpu.memory_space<vmem>>
      %dma_wait3A_172 = arith.constant 256 : i32
      %dma_wait3A_173 = tpu.memref_slice %arg6[%scan3A_114, %dma_wait3A_172] : memref<32x1041xi32, #tpu.memory_space<vmem>> -> memref<1x128xi32, #tpu.memory_space<vmem>>
      %dma_wait3A_174 = tpu.memref_squeeze %dma_wait3A_173 : memref<1x128xi32, #tpu.memory_space<vmem>> -> memref<128xi32, #tpu.memory_space<vmem>>
      %dma_wait3A_175 = arith.constant 0 : i32
      %dma_wait3A_176 = arith.constant 0 : i32
      %dma_wait3A_177 = tpu.memref_slice %arg3[%dma_wait3A_175, %dma_wait3A_176] : memref<100000x32xf32, #tpu.memory_space<hbm>> -> memref<100000x32xf32, #tpu.memory_space<hbm>>
      tpu.wait_indirect_dma semaphore(%arg10 : memref<!tpu.dma_semaphore, #tpu.memory_space<semaphore_mem>>) src(%dma_wait3A_177 : memref<100000x32xf32, #tpu.memory_space<hbm>>) dst(%dma_wait3A_171 : memref<128x32xf32, #tpu.memory_space<vmem>>)
      %dma_wait3A_178 = arith.constant 384 : i32
      %dma_wait3A_179 = arith.constant 0 : i32
      %dma_wait3A_180 = tpu.memref_slice %arg7[%dma_wait3A_178, %dma_wait3A_179] : memref<512x32xf32, #tpu.memory_space<vmem>> -> memref<128x32xf32, #tpu.memory_space<vmem>>
      %dma_wait3A_181 = arith.constant 384 : i32
      %dma_wait3A_182 = tpu.memref_slice %arg6[%scan3A_114, %dma_wait3A_181] : memref<32x1041xi32, #tpu.memory_space<vmem>> -> memref<1x128xi32, #tpu.memory_space<vmem>>
      %dma_wait3A_183 = tpu.memref_squeeze %dma_wait3A_182 : memref<1x128xi32, #tpu.memory_space<vmem>> -> memref<128xi32, #tpu.memory_space<vmem>>
      %dma_wait3A_184 = arith.constant 0 : i32
      %dma_wait3A_185 = arith.constant 0 : i32
      %dma_wait3A_186 = tpu.memref_slice %arg3[%dma_wait3A_184, %dma_wait3A_185] : memref<100000x32xf32, #tpu.memory_space<hbm>> -> memref<100000x32xf32, #tpu.memory_space<hbm>>
      tpu.wait_indirect_dma semaphore(%arg10 : memref<!tpu.dma_semaphore, #tpu.memory_space<semaphore_mem>>) src(%dma_wait3A_186 : memref<100000x32xf32, #tpu.memory_space<hbm>>) dst(%dma_wait3A_180 : memref<128x32xf32, #tpu.memory_space<vmem>>)
      %gt3A = arith.constant 0 : i32
      %gt3A_187 = arith.cmpi sgt, %scan3A_114, %gt3A : i32
      %convert_element_type3A = arith.extui %gt3A_187 : i1 to i32
      %cond3A = arith.constant 0 : i32
      %cond3A_188 = arith.cmpi ne, %convert_element_type3A, %cond3A : i32
      scf.if %cond3A_188 {
        %sub3A_257 = arith.constant 1 : i32
        %sub3A_258 = arith.subi %scan3A_114, %sub3A_257 : i32
        %mul3A_259 = arith.constant 32 : i32
        %mul3A_260 = arith.muli %add3A, %mul3A_259 : i32
        %add3A_261 = arith.addi %mul3A_260, %sub3A_258 : i32
        %dma_wait3A_262 = arith.constant 0 : i32
        %dma_wait3A_263 = arith.constant 0 : i32
        %dma_wait3A_264 = arith.constant 0 : i32
        %dma_wait3A_265 = tpu.memref_slice %arg9[%dma_wait3A_262, %dma_wait3A_263, %dma_wait3A_264] : memref<32x9x137xf32, #tpu.memory_space<vmem>> -> memref<32x8x128xf32, #tpu.memory_space<vmem>>
        %dma_wait3A_266 = arith.constant 0 : i32
        %dma_wait3A_267 = arith.constant 0 : i32
        %dma_wait3A_268 = arith.constant 0 : i32
        %dma_wait3A_269 = tpu.memref_slice %arg4[%add3A_261, %dma_wait3A_266, %dma_wait3A_267, %dma_wait3A_268] : memref<1024x32x8x128xf32, #tpu.memory_space<hbm>> -> memref<1x32x8x128xf32, #tpu.memory_space<hbm>>
        %dma_wait3A_270 = tpu.memref_squeeze %dma_wait3A_269 : memref<1x32x8x128xf32, #tpu.memory_space<hbm>> -> memref<32x8x128xf32, #tpu.memory_space<hbm>>
        %dma_wait3A_271 = arith.constant 0 : i32
        %dma_wait3A_272 = arith.constant 0 : i32
        %dma_wait3A_273 = arith.constant 0 : i32
        %dma_wait3A_274 = tpu.memref_slice %arg4[%add3A_261, %dma_wait3A_271, %dma_wait3A_272, %dma_wait3A_273] : memref<1024x32x8x128xf32, #tpu.memory_space<hbm>> -> memref<1x32x8x128xf32, #tpu.memory_space<hbm>>
        %dma_wait3A_275 = tpu.memref_squeeze %dma_wait3A_274 : memref<1x32x8x128xf32, #tpu.memory_space<hbm>> -> memref<32x8x128xf32, #tpu.memory_space<hbm>>
        %dma_wait3A_276 = arith.constant 0 : i32
        %dma_wait3A_277 = arith.constant 0 : i32
        %dma_wait3A_278 = arith.constant 0 : i32
        %dma_wait3A_279 = tpu.memref_slice %arg9[%dma_wait3A_276, %dma_wait3A_277, %dma_wait3A_278] : memref<32x9x137xf32, #tpu.memory_space<vmem>> -> memref<32x8x128xf32, #tpu.memory_space<vmem>>
        tpu.wait_dma2 semaphore(%arg12 : memref<!tpu.dma_semaphore, #tpu.memory_space<semaphore_mem>>) src(%dma_wait3A_279 : memref<32x8x128xf32, #tpu.memory_space<vmem>>) dst(%dma_wait3A_275 : memref<32x8x128xf32, #tpu.memory_space<hbm>>)
      } else {
      }
      %parallel_loop3A_189 = arith.constant 0 : i32
      %parallel_loop3A_190 = arith.constant 512 : i32
      %parallel_loop3A_191 = arith.constant 1 : i32
      scf.for %parallel_loop3A_257 = %parallel_loop3A_189 to %parallel_loop3A_190 step %parallel_loop3A_191  : i32 {
        %parallel_loop3A_258 = arith.constant 0 : i32
        %parallel_loop3A_259 = arith.addi %parallel_loop3A_258, %parallel_loop3A_257 : i32
        %parallel_loop3A_260 = arith.constant 7 : i32
        %parallel_loop3A_261 = arith.shrsi %parallel_loop3A_259, %parallel_loop3A_260 : i32
        %parallel_loop3A_262 = arith.constant 127 : i32
        %parallel_loop3A_263 = arith.andi %parallel_loop3A_259, %parallel_loop3A_262 : i32
        %parallel_loop3A_264 = vector.broadcast %parallel_loop3A_263 : i32 to vector<16xi32>
        %parallel_loop3A_265 = vector.broadcast %parallel_loop3A_261 : i32 to vector<16xi32>
        %parallel_loop3A_266 = arith.addi %mul3A_45, %parallel_loop3A_265 : vector<16xi32>
        %parallel_loop3A_267 = arith.index_cast %parallel_loop3A_257 : i32 to index
        %parallel_loop3A_268 = arith.constant 0 : index
        %parallel_loop3A_269 = tpu.vector_load %arg7[%parallel_loop3A_267, %parallel_loop3A_268] {strides = array<i32>} : memref<512x32xf32, #tpu.memory_space<vmem>>, vector<16xf32>,
        tpu.vector_store_idx %arg9[%parallel_loop3A_266, %and3A_48, %parallel_loop3A_264], %parallel_loop3A_269 : memref<32x9x137xf32, #tpu.memory_space<vmem>>[vector<16xi32>, vector<16xi32>, vector<16xi32>], vector<16xf32>,
        %parallel_loop3A_270 = arith.index_cast %parallel_loop3A_257 : i32 to index
        %parallel_loop3A_271 = arith.constant 16 : index
        %parallel_loop3A_272 = tpu.vector_load %arg7[%parallel_loop3A_270, %parallel_loop3A_271] {strides = array<i32>} : memref<512x32xf32, #tpu.memory_space<vmem>>, vector<16xf32>,
        %parallel_loop3A_273 = arith.constant 16 : i32
        %parallel_loop3A_274 = vector.broadcast %parallel_loop3A_273 : i32 to vector<16xi32>
        %parallel_loop3A_275 = arith.addi %parallel_loop3A_266, %parallel_loop3A_274 : vector<16xi32>
        tpu.vector_store_idx %arg9[%parallel_loop3A_275, %and3A_48, %parallel_loop3A_264], %parallel_loop3A_272 : memref<32x9x137xf32, #tpu.memory_space<vmem>>[vector<16xi32>, vector<16xi32>, vector<16xi32>], vector<16xf32>,
      } {sc.loop_unroll_factor = 8 : i64, sc.parallel_access}
      %lt3A_192 = arith.constant 31 : i32
      %lt3A_193 = arith.cmpi slt, %scan3A_114, %lt3A_192 : i32
      %convert_element_type3A_194 = arith.extui %lt3A_193 : i1 to i32
      %cond3A_195 = arith.constant 0 : i32
      %cond3A_196 = arith.cmpi ne, %convert_element_type3A_194, %cond3A_195 : i32
      scf.if %cond3A_196 {
        %add3A_257 = arith.constant 1 : i32
        %add3A_258 = arith.addi %scan3A_114, %add3A_257 : i32
        %dma_start3A_259 = arith.constant 0 : i32
        %dma_start3A_260 = arith.constant 0 : i32
        %dma_start3A_261 = tpu.memref_slice %arg7[%dma_start3A_259, %dma_start3A_260] : memref<512x32xf32, #tpu.memory_space<vmem>> -> memref<128x32xf32, #tpu.memory_space<vmem>>
        %dma_start3A_262 = arith.constant 0 : i32
        %dma_start3A_263 = tpu.memref_slice %arg6[%add3A_258, %dma_start3A_262] : memref<32x1041xi32, #tpu.memory_space<vmem>> -> memref<1x128xi32, #tpu.memory_space<vmem>>
        %dma_start3A_264 = tpu.memref_squeeze %dma_start3A_263 : memref<1x128xi32, #tpu.memory_space<vmem>> -> memref<128xi32, #tpu.memory_space<vmem>>
        %dma_start3A_265 = arith.constant 0 : i32
        %dma_start3A_266 = arith.constant 0 : i32
        %dma_start3A_267 = tpu.memref_slice %arg3[%dma_start3A_265, %dma_start3A_266] : memref<100000x32xf32, #tpu.memory_space<hbm>> -> memref<100000x32xf32, #tpu.memory_space<hbm>>
        tpu.enqueue_indirect_dma source(%dma_start3A_267 : memref<100000x32xf32, #tpu.memory_space<hbm>>) target(%dma_start3A_261 : memref<128x32xf32, #tpu.memory_space<vmem>>) offsets(%dma_start3A_264 : memref<128xi32, #tpu.memory_space<vmem>>) semaphore(%arg10 : memref<!tpu.dma_semaphore, #tpu.memory_space<semaphore_mem>>)
        %dma_start3A_268 = arith.constant 128 : i32
        %dma_start3A_269 = arith.constant 0 : i32
        %dma_start3A_270 = tpu.memref_slice %arg7[%dma_start3A_268, %dma_start3A_269] : memref<512x32xf32, #tpu.memory_space<vmem>> -> memref<128x32xf32, #tpu.memory_space<vmem>>
        %dma_start3A_271 = arith.constant 128 : i32
        %dma_start3A_272 = tpu.memref_slice %arg6[%add3A_258, %dma_start3A_271] : memref<32x1041xi32, #tpu.memory_space<vmem>> -> memref<1x128xi32, #tpu.memory_space<vmem>>
        %dma_start3A_273 = tpu.memref_squeeze %dma_start3A_272 : memref<1x128xi32, #tpu.memory_space<vmem>> -> memref<128xi32, #tpu.memory_space<vmem>>
        %dma_start3A_274 = arith.constant 0 : i32
        %dma_start3A_275 = arith.constant 0 : i32
        %dma_start3A_276 = tpu.memref_slice %arg3[%dma_start3A_274, %dma_start3A_275] : memref<100000x32xf32, #tpu.memory_space<hbm>> -> memref<100000x32xf32, #tpu.memory_space<hbm>>
        tpu.enqueue_indirect_dma source(%dma_start3A_276 : memref<100000x32xf32, #tpu.memory_space<hbm>>) target(%dma_start3A_270 : memref<128x32xf32, #tpu.memory_space<vmem>>) offsets(%dma_start3A_273 : memref<128xi32, #tpu.memory_space<vmem>>) semaphore(%arg10 : memref<!tpu.dma_semaphore, #tpu.memory_space<semaphore_mem>>)
        %dma_start3A_277 = arith.constant 256 : i32
        %dma_start3A_278 = arith.constant 0 : i32
        %dma_start3A_279 = tpu.memref_slice %arg7[%dma_start3A_277, %dma_start3A_278] : memref<512x32xf32, #tpu.memory_space<vmem>> -> memref<128x32xf32, #tpu.memory_space<vmem>>
        %dma_start3A_280 = arith.constant 256 : i32
        %dma_start3A_281 = tpu.memref_slice %arg6[%add3A_258, %dma_start3A_280] : memref<32x1041xi32, #tpu.memory_space<vmem>> -> memref<1x128xi32, #tpu.memory_space<vmem>>
        %dma_start3A_282 = tpu.memref_squeeze %dma_start3A_281 : memref<1x128xi32, #tpu.memory_space<vmem>> -> memref<128xi32, #tpu.memory_space<vmem>>
        %dma_start3A_283 = arith.constant 0 : i32
        %dma_start3A_284 = arith.constant 0 : i32
        %dma_start3A_285 = tpu.memref_slice %arg3[%dma_start3A_283, %dma_start3A_284] : memref<100000x32xf32, #tpu.memory_space<hbm>> -> memref<100000x32xf32, #tpu.memory_space<hbm>>
        tpu.enqueue_indirect_dma source(%dma_start3A_285 : memref<100000x32xf32, #tpu.memory_space<hbm>>) target(%dma_start3A_279 : memref<128x32xf32, #tpu.memory_space<vmem>>) offsets(%dma_start3A_282 : memref<128xi32, #tpu.memory_space<vmem>>) semaphore(%arg10 : memref<!tpu.dma_semaphore, #tpu.memory_space<semaphore_mem>>)
        %dma_start3A_286 = arith.constant 384 : i32
        %dma_start3A_287 = arith.constant 0 : i32
        %dma_start3A_288 = tpu.memref_slice %arg7[%dma_start3A_286, %dma_start3A_287] : memref<512x32xf32, #tpu.memory_space<vmem>> -> memref<128x32xf32, #tpu.memory_space<vmem>>
        %dma_start3A_289 = arith.constant 384 : i32
        %dma_start3A_290 = tpu.memref_slice %arg6[%add3A_258, %dma_start3A_289] : memref<32x1041xi32, #tpu.memory_space<vmem>> -> memref<1x128xi32, #tpu.memory_space<vmem>>
        %dma_start3A_291 = tpu.memref_squeeze %dma_start3A_290 : memref<1x128xi32, #tpu.memory_space<vmem>> -> memref<128xi32, #tpu.memory_space<vmem>>
        %dma_start3A_292 = arith.constant 0 : i32
        %dma_start3A_293 = arith.constant 0 : i32
        %dma_start3A_294 = tpu.memref_slice %arg3[%dma_start3A_292, %dma_start3A_293] : memref<100000x32xf32, #tpu.memory_space<hbm>> -> memref<100000x32xf32, #tpu.memory_space<hbm>>
        tpu.enqueue_indirect_dma source(%dma_start3A_294 : memref<100000x32xf32, #tpu.memory_space<hbm>>) target(%dma_start3A_288 : memref<128x32xf32, #tpu.memory_space<vmem>>) offsets(%dma_start3A_291 : memref<128xi32, #tpu.memory_space<vmem>>) semaphore(%arg10 : memref<!tpu.dma_semaphore, #tpu.memory_space<semaphore_mem>>)
      } else {
      }
      %dma_wait3A_197 = arith.constant 0 : i32
      %dma_wait3A_198 = arith.constant 0 : i32
      %dma_wait3A_199 = tpu.memref_slice %arg8[%dma_wait3A_197, %dma_wait3A_198] : memref<512x32xf32, #tpu.memory_space<vmem>> -> memref<128x32xf32, #tpu.memory_space<vmem>>
      %dma_wait3A_200 = arith.constant 512 : i32
      %dma_wait3A_201 = tpu.memref_slice %arg6[%scan3A_114, %dma_wait3A_200] : memref<32x1041xi32, #tpu.memory_space<vmem>> -> memref<1x128xi32, #tpu.memory_space<vmem>>
      %dma_wait3A_202 = tpu.memref_squeeze %dma_wait3A_201 : memref<1x128xi32, #tpu.memory_space<vmem>> -> memref<128xi32, #tpu.memory_space<vmem>>
      %dma_wait3A_203 = arith.constant 0 : i32
      %dma_wait3A_204 = arith.constant 0 : i32
      %dma_wait3A_205 = tpu.memref_slice %arg3[%dma_wait3A_203, %dma_wait3A_204] : memref<100000x32xf32, #tpu.memory_space<hbm>> -> memref<100000x32xf32, #tpu.memory_space<hbm>>
      tpu.wait_indirect_dma semaphore(%arg11 : memref<!tpu.dma_semaphore, #tpu.memory_space<semaphore_mem>>) src(%dma_wait3A_205 : memref<100000x32xf32, #tpu.memory_space<hbm>>) dst(%dma_wait3A_199 : memref<128x32xf32, #tpu.memory_space<vmem>>)
      %dma_wait3A_206 = arith.constant 128 : i32
      %dma_wait3A_207 = arith.constant 0 : i32
      %dma_wait3A_208 = tpu.memref_slice %arg8[%dma_wait3A_206, %dma_wait3A_207] : memref<512x32xf32, #tpu.memory_space<vmem>> -> memref<128x32xf32, #tpu.memory_space<vmem>>
      %dma_wait3A_209 = arith.constant 640 : i32
      %dma_wait3A_210 = tpu.memref_slice %arg6[%scan3A_114, %dma_wait3A_209] : memref<32x1041xi32, #tpu.memory_space<vmem>> -> memref<1x128xi32, #tpu.memory_space<vmem>>
      %dma_wait3A_211 = tpu.memref_squeeze %dma_wait3A_210 : memref<1x128xi32, #tpu.memory_space<vmem>> -> memref<128xi32, #tpu.memory_space<vmem>>
      %dma_wait3A_212 = arith.constant 0 : i32
      %dma_wait3A_213 = arith.constant 0 : i32
      %dma_wait3A_214 = tpu.memref_slice %arg3[%dma_wait3A_212, %dma_wait3A_213] : memref<100000x32xf32, #tpu.memory_space<hbm>> -> memref<100000x32xf32, #tpu.memory_space<hbm>>
      tpu.wait_indirect_dma semaphore(%arg11 : memref<!tpu.dma_semaphore, #tpu.memory_space<semaphore_mem>>) src(%dma_wait3A_214 : memref<100000x32xf32, #tpu.memory_space<hbm>>) dst(%dma_wait3A_208 : memref<128x32xf32, #tpu.memory_space<vmem>>)
      %dma_wait3A_215 = arith.constant 256 : i32
      %dma_wait3A_216 = arith.constant 0 : i32
      %dma_wait3A_217 = tpu.memref_slice %arg8[%dma_wait3A_215, %dma_wait3A_216] : memref<512x32xf32, #tpu.memory_space<vmem>> -> memref<128x32xf32, #tpu.memory_space<vmem>>
      %dma_wait3A_218 = arith.constant 768 : i32
      %dma_wait3A_219 = tpu.memref_slice %arg6[%scan3A_114, %dma_wait3A_218] : memref<32x1041xi32, #tpu.memory_space<vmem>> -> memref<1x128xi32, #tpu.memory_space<vmem>>
      %dma_wait3A_220 = tpu.memref_squeeze %dma_wait3A_219 : memref<1x128xi32, #tpu.memory_space<vmem>> -> memref<128xi32, #tpu.memory_space<vmem>>
      %dma_wait3A_221 = arith.constant 0 : i32
      %dma_wait3A_222 = arith.constant 0 : i32
      %dma_wait3A_223 = tpu.memref_slice %arg3[%dma_wait3A_221, %dma_wait3A_222] : memref<100000x32xf32, #tpu.memory_space<hbm>> -> memref<100000x32xf32, #tpu.memory_space<hbm>>
      tpu.wait_indirect_dma semaphore(%arg11 : memref<!tpu.dma_semaphore, #tpu.memory_space<semaphore_mem>>) src(%dma_wait3A_223 : memref<100000x32xf32, #tpu.memory_space<hbm>>) dst(%dma_wait3A_217 : memref<128x32xf32, #tpu.memory_space<vmem>>)
      %dma_wait3A_224 = arith.constant 384 : i32
      %dma_wait3A_225 = arith.constant 0 : i32
      %dma_wait3A_226 = tpu.memref_slice %arg8[%dma_wait3A_224, %dma_wait3A_225] : memref<512x32xf32, #tpu.memory_space<vmem>> -> memref<128x32xf32, #tpu.memory_space<vmem>>
      %dma_wait3A_227 = arith.constant 896 : i32
      %dma_wait3A_228 = tpu.memref_slice %arg6[%scan3A_114, %dma_wait3A_227] : memref<32x1041xi32, #tpu.memory_space<vmem>> -> memref<1x128xi32, #tpu.memory_space<vmem>>
      %dma_wait3A_229 = tpu.memref_squeeze %dma_wait3A_228 : memref<1x128xi32, #tpu.memory_space<vmem>> -> memref<128xi32, #tpu.memory_space<vmem>>
      %dma_wait3A_230 = arith.constant 0 : i32
      %dma_wait3A_231 = arith.constant 0 : i32
      %dma_wait3A_232 = tpu.memref_slice %arg3[%dma_wait3A_230, %dma_wait3A_231] : memref<100000x32xf32, #tpu.memory_space<hbm>> -> memref<100000x32xf32, #tpu.memory_space<hbm>>
      tpu.wait_indirect_dma semaphore(%arg11 : memref<!tpu.dma_semaphore, #tpu.memory_space<semaphore_mem>>) src(%dma_wait3A_232 : memref<100000x32xf32, #tpu.memory_space<hbm>>) dst(%dma_wait3A_226 : memref<128x32xf32, #tpu.memory_space<vmem>>)
      %parallel_loop3A_233 = arith.constant 0 : i32
      %parallel_loop3A_234 = arith.constant 512 : i32
      %parallel_loop3A_235 = arith.constant 1 : i32
      scf.for %parallel_loop3A_257 = %parallel_loop3A_233 to %parallel_loop3A_234 step %parallel_loop3A_235  : i32 {
        %parallel_loop3A_258 = arith.constant 512 : i32
        %parallel_loop3A_259 = arith.addi %parallel_loop3A_258, %parallel_loop3A_257 : i32
        %parallel_loop3A_260 = arith.constant 7 : i32
        %parallel_loop3A_261 = arith.shrsi %parallel_loop3A_259, %parallel_loop3A_260 : i32
        %parallel_loop3A_262 = arith.constant 127 : i32
        %parallel_loop3A_263 = arith.andi %parallel_loop3A_259, %parallel_loop3A_262 : i32
        %parallel_loop3A_264 = vector.broadcast %parallel_loop3A_263 : i32 to vector<16xi32>
        %parallel_loop3A_265 = vector.broadcast %parallel_loop3A_261 : i32 to vector<16xi32>
        %parallel_loop3A_266 = arith.addi %mul3A_45, %parallel_loop3A_265 : vector<16xi32>
        %parallel_loop3A_267 = arith.index_cast %parallel_loop3A_257 : i32 to index
        %parallel_loop3A_268 = arith.constant 0 : index
        %parallel_loop3A_269 = tpu.vector_load %arg8[%parallel_loop3A_267, %parallel_loop3A_268] {strides = array<i32>} : memref<512x32xf32, #tpu.memory_space<vmem>>, vector<16xf32>,
        tpu.vector_store_idx %arg9[%parallel_loop3A_266, %and3A_48, %parallel_loop3A_264], %parallel_loop3A_269 : memref<32x9x137xf32, #tpu.memory_space<vmem>>[vector<16xi32>, vector<16xi32>, vector<16xi32>], vector<16xf32>,
        %parallel_loop3A_270 = arith.index_cast %parallel_loop3A_257 : i32 to index
        %parallel_loop3A_271 = arith.constant 16 : index
        %parallel_loop3A_272 = tpu.vector_load %arg8[%parallel_loop3A_270, %parallel_loop3A_271] {strides = array<i32>} : memref<512x32xf32, #tpu.memory_space<vmem>>, vector<16xf32>,
        %parallel_loop3A_273 = arith.constant 16 : i32
        %parallel_loop3A_274 = vector.broadcast %parallel_loop3A_273 : i32 to vector<16xi32>
        %parallel_loop3A_275 = arith.addi %parallel_loop3A_266, %parallel_loop3A_274 : vector<16xi32>
        tpu.vector_store_idx %arg9[%parallel_loop3A_275, %and3A_48, %parallel_loop3A_264], %parallel_loop3A_272 : memref<32x9x137xf32, #tpu.memory_space<vmem>>[vector<16xi32>, vector<16xi32>, vector<16xi32>], vector<16xf32>,
      } {sc.loop_unroll_factor = 8 : i64, sc.parallel_access}
      %mul3A_236 = arith.constant 32 : i32
      %mul3A_237 = arith.muli %add3A, %mul3A_236 : i32
      %add3A_238 = arith.addi %mul3A_237, %scan3A_114 : i32
      %dma_start3A_239 = arith.constant 0 : i32
      %dma_start3A_240 = arith.constant 0 : i32
      %dma_start3A_241 = arith.constant 0 : i32
      %dma_start3A_242 = tpu.memref_slice %arg9[%dma_start3A_239, %dma_start3A_240, %dma_start3A_241] : memref<32x9x137xf32, #tpu.memory_space<vmem>> -> memref<32x8x128xf32, #tpu.memory_space<vmem>>
      %dma_start3A_243 = arith.constant 0 : i32
      %dma_start3A_244 = arith.constant 0 : i32
      %dma_start3A_245 = arith.constant 0 : i32
      %dma_start3A_246 = tpu.memref_slice %arg4[%add3A_238, %dma_start3A_243, %dma_start3A_244, %dma_start3A_245] : memref<1024x32x8x128xf32, #tpu.memory_space<hbm>> -> memref<1x32x8x128xf32, #tpu.memory_space<hbm>>
      %dma_start3A_247 = tpu.memref_squeeze %dma_start3A_246 : memref<1x32x8x128xf32, #tpu.memory_space<hbm>> -> memref<32x8x128xf32, #tpu.memory_space<hbm>>
      %dma_start3A_248 = arith.constant 0 : i32
      %dma_start3A_249 = arith.constant 0 : i32
      %dma_start3A_250 = arith.constant 0 : i32
      %dma_start3A_251 = tpu.memref_slice %arg4[%add3A_238, %dma_start3A_248, %dma_start3A_249, %dma_start3A_250] : memref<1024x32x8x128xf32, #tpu.memory_space<hbm>> -> memref<1x32x8x128xf32, #tpu.memory_space<hbm>>
      %dma_start3A_252 = tpu.memref_squeeze %dma_start3A_251 : memref<1x32x8x128xf32, #tpu.memory_space<hbm>> -> memref<32x8x128xf32, #tpu.memory_space<hbm>>
      %dma_start3A_253 = arith.constant 0 : i32
      %dma_start3A_254 = arith.constant 0 : i32
      %dma_start3A_255 = arith.constant 0 : i32
      %dma_start3A_256 = tpu.memref_slice %arg9[%dma_start3A_253, %dma_start3A_254, %dma_start3A_255] : memref<32x9x137xf32, #tpu.memory_space<vmem>> -> memref<32x8x128xf32, #tpu.memory_space<vmem>>
      tpu.enqueue_dma source(%dma_start3A_256 : memref<32x8x128xf32, #tpu.memory_space<vmem>>) target(%dma_start3A_252 : memref<32x8x128xf32, #tpu.memory_space<hbm>>) target_semaphore(%arg12 : memref<!tpu.dma_semaphore, #tpu.memory_space<semaphore_mem>>)
    }
    %scan3A_92 = arith.constant 32 : i32
    %mul3A_93 = arith.constant 32 : i32
    %mul3A_94 = arith.muli %add3A, %mul3A_93 : i32
    %add3A_95 = arith.constant 31 : i32
    %add3A_96 = arith.addi %mul3A_94, %add3A_95 : i32
    %dma_wait3A = arith.constant 0 : i32
    %dma_wait3A_97 = arith.constant 0 : i32
    %dma_wait3A_98 = arith.constant 0 : i32
    %dma_wait3A_99 = tpu.memref_slice %arg9[%dma_wait3A, %dma_wait3A_97, %dma_wait3A_98] : memref<32x9x137xf32, #tpu.memory_space<vmem>> -> memref<32x8x128xf32, #tpu.memory_space<vmem>>
    %dma_wait3A_100 = arith.constant 0 : i32
    %dma_wait3A_101 = arith.constant 0 : i32
    %dma_wait3A_102 = arith.constant 0 : i32
    %dma_wait3A_103 = tpu.memref_slice %arg4[%add3A_96, %dma_wait3A_100, %dma_wait3A_101, %dma_wait3A_102] : memref<1024x32x8x128xf32, #tpu.memory_space<hbm>> -> memref<1x32x8x128xf32, #tpu.memory_space<hbm>>
    %dma_wait3A_104 = tpu.memref_squeeze %dma_wait3A_103 : memref<1x32x8x128xf32, #tpu.memory_space<hbm>> -> memref<32x8x128xf32, #tpu.memory_space<hbm>>
    %dma_wait3A_105 = arith.constant 0 : i32
    %dma_wait3A_106 = arith.constant 0 : i32
    %dma_wait3A_107 = arith.constant 0 : i32
    %dma_wait3A_108 = tpu.memref_slice %arg4[%add3A_96, %dma_wait3A_105, %dma_wait3A_106, %dma_wait3A_107] : memref<1024x32x8x128xf32, #tpu.memory_space<hbm>> -> memref<1x32x8x128xf32, #tpu.memory_space<hbm>>
    %dma_wait3A_109 = tpu.memref_squeeze %dma_wait3A_108 : memref<1x32x8x128xf32, #tpu.memory_space<hbm>> -> memref<32x8x128xf32, #tpu.memory_space<hbm>>
    %dma_wait3A_110 = arith.constant 0 : i32
    %dma_wait3A_111 = arith.constant 0 : i32
    %dma_wait3A_112 = arith.constant 0 : i32
    %dma_wait3A_113 = tpu.memref_slice %arg9[%dma_wait3A_110, %dma_wait3A_111, %dma_wait3A_112] : memref<32x9x137xf32, #tpu.memory_space<vmem>> -> memref<32x8x128xf32, #tpu.memory_space<vmem>>
    tpu.wait_dma2 semaphore(%arg12 : memref<!tpu.dma_semaphore, #tpu.memory_space<semaphore_mem>>) src(%dma_wait3A_113 : memref<32x8x128xf32, #tpu.memory_space<vmem>>) dst(%dma_wait3A_109 : memref<32x8x128xf32, #tpu.memory_space<hbm>>)
    return
  }
}

</mosaic_0001>

<sc_bundles>
// kernel: kernel.3.cloned.1.call-start
scs
__scs_entry_jumppad:
0x0: {  	(pc) =	sbr.rel $0x88, $3  }
0x1: {  	(tag) =	ssettag $0x0;
	lr =	simm.s32 $0x1  }
0x2: {  	[smem:$0x3F9F] =	sst lr;
	_ =	strace $0xD0000000  }
0x3: {  	_ = 	snop  }
0x4: {  	_ = 	snop  }
0x5: {  	_ = 	snop  }
0x6: {  	_ = 	snop  }
0x7: {  	_ = 	snop  }
__scs_overlays_trampoline_lowered:
0x8: {  	[smem:$0x3FAE] =	sst s0  }
0x9: {  	[smem:$0x3FAF] =	sst s1  }
0xa: {  	[smem:$0x3FB0] =	sst s2  }
0xb: {  	[smem:$0x3FB1] =	sst s3  }
0xc: {  	[smem:$0x3FB2] =	sst s4  }
0xd: {  	[smem:$0x3FB3] =	sst s5  }
0xe: {  	[smem:$0x3FB4] =	sst s6  }
0xf: {  	[smem:$0x3FB5] =	sst s7  }
0x10: {  	[smem:$0x3FB6] =	sst s8  }
0x11: {  	[smem:$0x3FB7] =	sst s9;
	s0 =	simm.s32 @!p0 $0x0  }
0x12: {  	s1 =	sld [smem:$0x3F9D];
	s0 =	simm.s32 @p0 $0x1  }
0x13: {  	[smem:$0x3FB8] =	sst s0;
	s0 =	simm.s32 @!p1 $0x0  }
0x14: {  	s2 =	sld [smem:$0x3F9C];
	s0 =	simm.s32 @p1 $0x1  }
0x15: {  	[smem:$0x3FB9] =	sst s0;
	s0 =	simm.s32 @!p2 $0x0  }
0x16: {  	s3 =	sld [smem:$0x3FDB];
	s0 =	simm.s32 @p2 $0x1  }
0x17: {  	s4 =	simm.s32 $0x1BF5;
	[smem:$0x3FBB] =	sst s0  }
0x18: {  	s0 =	sld [smem:$0x3F9E];
	_ =	swait.ge [sflag:s4], $0x0  }
0x19: {  	s7 =	sld [smem:$0x3F9F]  }
0x1a: {  	s8 =	sadd.s32 $0xFFFFE003, lr  }
0x1b: {  	s9 =	sadd.s32 $0xFFFFFEF7, lr;
	s5 =	simm.s32 $0xFFFFFFFF;
	p2 =	slt.u32 s8, $0xFFFFF086  }
0x1c: {  	p1 =	slt.u32 s9, $0xF7A;
	s5 =	simm.s32 @!p2 $0x0  }
0x1d: {  	s5 =	simm.s32 @p1 $0x1;
	p0 =	seq.s32 s7, s2  }
0x1e: {  	s7 =	smul.u32 @!p0 $0xF7A, s2;
	p2 =	seq.s32 @!p0 s5, $0x0  }
0x1f: {  	s9 =	smul.u32 $0xF7A, s1;
	s8 =	simm.s32 @!p0 $0x1BF5;
	p2 =	por !p2, p0  }
0x20: {  	[sflag:s8] =	ssyncset.s32 @!p0 $0xFFFFF086;
	s6 =	sadd.s32 @!p0 s3, s7;
	s7 =	simm.s32 @!p0 $0x108  }
0x21: {  	s3 =	sadd.s32 s3, s9;
	s6 =	sadd.s32 @!p0 $0x88, s6;
	s7 =	simm.s32 @p2 $0x1082  }
0x22: {  	[simem:s7], [sflag:s8] =	dma.local @!p0 [hbm:s6], $0xF7A  }
0x23: {  	s9 =	sor.u32 $0xD0000000, s2;
	s6 =	simm.s32 $0x108;
	_ =	swait.ge @!p0 [sflag:s8], $0x0  }
0x24: {  	s3 =	sadd.s32 $0x88, s3;
	s6 =	simm.s32 @!p1 $0x1082;
	[sflag:s4] =	ssyncset.s32 $0xFFFFF086  }
0x25: {  	[simem:s6], [sflag:s4] =	dma.local [hbm:s3], $0xF7A  }
0x26: {  	[smem:$0x3F9F] =	sst s1;
	(tag) =	ssettag s2;
	_ =	strace s9  }
0x27: {  	s1 =	sld [smem:$0x3FAF]  }
0x28: {  	s2 =	sld [smem:$0x3FB0]  }
0x29: {  	s4 =	sld [smem:$0x3FB2]  }
0x2a: {  	p0 =	seq.s32 s5, $0x0;
	s5 =	sld [smem:$0x3FB3]  }
0x2b: {  	s6 =	sld [smem:$0x3FB4]  }
0x2c: {  	s7 =	sld [smem:$0x3FB5]  }
0x2d: {  	s3 =	simm.s32 $0x108;
	s8 =	sld [smem:$0x3FB6]  }
0x2e: {  	s3 =	simm.s32 @!p0 $0x1082;
	s9 =	sld [smem:$0x3FB7]  }
0x2f: {  	lr =	sadd.s32 s0, s3;
	s0 =	sld [smem:$0x3FAE]  }
0x30: {  	s3 =	sld [smem:$0x3FB1]  }
0x31: {  	[smem:$0x3FBA] =	sst s10  }
0x32: {  	s10 =	sld [smem:$0x3FB8];
	_ =	sdelay $0x3  }
0x33: {  	p0 =	seq.s32 s10, $0x1;
	s10 =	sld [smem:$0x3FBA];
	_ =	sdelay $0x3  }
0x34: {  	[smem:$0x3FBA] =	sst s10  }
0x35: {  	s10 =	sld [smem:$0x3FB9];
	_ =	sdelay $0x3  }
0x36: {  	p1 =	seq.s32 s10, $0x1;
	s10 =	sld [smem:$0x3FBA];
	_ =	sdelay $0x3  }
0x37: {  	[smem:$0x3FBA] =	sst s10  }
0x38: {  	s10 =	sld [smem:$0x3FBB]  }
0x39: {  	_ = 	snop;
	(pc) =	sbr.ind lr, $3  }
0x3a: {  	_ = 	snop  }
0x3b: {  	_ = 	snop  }
0x3c: {  	p2 =	seq.s32 s10, $0x1;
	s10 =	sld [smem:$0x3FBA]  }
0x3d: {  	_ =	shalt  }
0x3e: {  	_ =	shalt  }
0x3f: {  	_ =	shalt  }
0x40: {  	_ =	shalt  }
0x41: {  	_ =	shalt  }
0x42: {  	_ =	shalt  }
0x43: {  	_ =	shalt  }
0x44: {  	_ =	shalt  }
0x45: {  	_ =	shalt  }
0x46: {  	_ =	shalt  }
0x47: {  	_ =	shalt  }
0x48: {  	_ =	shalt  }
0x49: {  	_ =	shalt  }
0x4a: {  	_ =	shalt  }
0x4b: {  	_ =	shalt  }
0x4c: {  	_ =	shalt  }
0x4d: {  	_ =	shalt  }
0x4e: {  	_ =	shalt  }
0x4f: {  	_ =	shalt  }
0x50: {  	_ =	shalt  }
0x51: {  	_ =	shalt  }
0x52: {  	_ =	shalt  }
0x53: {  	_ =	shalt  }
0x54: {  	_ =	shalt  }
0x55: {  	_ =	shalt  }
0x56: {  	_ =	shalt  }
0x57: {  	_ =	shalt  }
0x58: {  	_ =	shalt  }
0x59: {  	_ =	shalt  }
0x5a: {  	_ =	shalt  }
0x5b: {  	_ =	shalt  }
0x5c: {  	_ =	shalt  }
0x5d: {  	_ =	shalt  }
0x5e: {  	_ =	shalt  }
0x5f: {  	_ =	shalt  }
0x60: {  	_ =	shalt  }
0x61: {  	_ =	shalt  }
0x62: {  	_ =	shalt  }
0x63: {  	_ =	shalt  }
0x64: {  	_ =	shalt  }
0x65: {  	_ =	shalt  }
0x66: {  	_ =	shalt  }
0x67: {  	_ =	shalt  }
0x68: {  	_ =	shalt  }
0x69: {  	_ =	shalt  }
0x6a: {  	_ =	shalt  }
0x6b: {  	_ =	shalt  }
0x6c: {  	_ =	shalt  }
0x6d: {  	_ =	shalt  }
0x6e: {  	_ =	shalt  }
0x6f: {  	_ =	shalt  }
0x70: {  	_ =	shalt  }
0x71: {  	_ =	shalt  }
0x72: {  	_ =	shalt  }
0x73: {  	_ =	shalt  }
0x74: {  	_ =	shalt  }
0x75: {  	_ =	shalt  }
0x76: {  	_ =	shalt  }
0x77: {  	_ =	shalt  }
0x78: {  	_ =	shalt  }
0x79: {  	_ =	shalt  }
0x7a: {  	_ =	shalt  }
0x7b: {  	_ =	shalt  }
0x7c: {  	_ =	shalt  }
0x7d: {  	_ =	shalt  }
0x7e: {  	_ =	shalt  }
0x7f: {  	_ =	shalt  }
0x80: {  	_ =	shalt  }
0x81: {  	_ =	shalt  }
0x82: {  	_ =	shalt  }
0x83: {  	_ =	shalt  }
0x84: {  	_ =	shalt  }
0x85: {  	_ =	shalt  }
0x86: {  	_ =	shalt  }
0x87: {  	_ =	shalt  }
.Lfunc_end0:
.L_simem_size_0:
called_computation_lowered:
.L_overlay_start_0:
0x88: {  	s2 =	sld [smem:$0x3FD9]  }
0x89: {  	s3 =	sld [smem:$0x3FFE];
	_ =	sdelay $0x1  }
0x8a: {  	s1 =	srdreg.scid  }
0x8b: {  	s0 =	sand.u32 $0x1, s1  }
0x8c: {  	s14 =	sshll.u32 s0, $0xA;
	s2 =	sadd.s32 s3, s2  }
0x8d: {  	s2 =	sadd.s32 s2, s14  }
0x8e: {  	[smem:$0x3FC6] =	sst s2  }
0x8f: {  	_ = 	snop  }
0x90: {  	s2 =	sld [smem:$0x3FD0];
	_ =	sdelay $0x2  }
0x91: {  	s4 =	simm.s32 $0xA;
	s5 =	simm.s32 $0x10;
	s15 =	sld [smem:$0x3FC9]  }
0x92: {  	[smem:s5], [sflag:s4] =	dma.local [hbm:s2], $0x1  }
0x93: {  	_ =	swait.eq [sflag:s4], $0x1  }
0x94: {  	[sflag:s4] =	ssyncset.done $0x0  }
0x95: {  	[sflag:s4] =	ssyncadd.s32 $0xFFFFFFFF  }
0x96: {  	s16 =	sld [smem:$0x10];
	(tm) =	ssettm $0x1  }
0x97: {  	s17 =	sld [smem:$0x3FFB];
	_ =	sdelay $0x3  }
0x98: {  	_ =	strace s17  }
0x99: {  	s4 =	sld [smem:$0x3FFC];
	_ =	sdelay $0x3  }
0x9a: {  	_ =	strace s4  }
0x9b: {  	s4 =	sld [smem:$0x3FFD];
	_ =	sdelay $0x3  }
0x9c: {  	_ =	strace s4  }
0x9d: {  	_ =	strace $0x8FFFFFFF  }
0x9e: {  	s18 =	sld [smem:$0x3FDB];
	_ =	sdelay $0x1  }
0x9f: {  	s19 =	simm.s32 $_scs_section_size  }
0xa0: {  	s6 =	simm.s32 $_size__tile_overlayer_lowered;
	s7 =	simm.s32 $_tile_overlayer_lowered  }
0xa1: {  	s22 =	simm.s32 $0x1BFF;
	s21 =	sshll.u32 s7, $0x1;
	s4 =	sadd.s32 s19, s18  }
0xa2: {  	s8 =	simm.s32 $0x0;
	s20 =	sshll.u32 s6, $0x1;
	s6 =	sadd.s32 s21, s4  }
0xa3: {  	[timem:s8], [sflag:s22] =	dma.local [hbm:s6], s20  }
0xa4: {  	_ =	swait.ge [sflag:s22], s20  }
0xa5: {  	s5 =	ssub.s32 $0x0, s20;
	[sflag:s22] =	ssyncset.done $0x0  }
0xa6: {  	[sflag:s22] =	ssyncadd.s32 s5;
	_ =	sdelay $0x1  }
0xa7: {  	s23 =	simm.s32 $0x1B8B  }
0xa8: {  	_ =	swait.ge [sflag:s23], $0x1  }
0xa9: {  	[sflag:s23] =	ssyncset.done $0x0  }
0xaa: {  	s25 =	simm.s32 $0x1B8E;
	s24 =	sld [smem:$0x3FFE];
	[sflag:s23] =	ssyncadd.s32 $0xFFFFFFFF  }
0xab: {  	s26 =	simm.s32 $execute0_lowered;
	[smem:$0x3FD2] =	sst s25  }
0xac: {  	s6 =	sshll.u32 s26, $0x1;
	_ =	strace $0x80000046;
	[dreg:$0x1] =	wrdreg $0xFFFFFFFF  }
0xad: {  	s28 =	simm.s32 $_size_execute0_lowered;
	s4 =	sadd.s32 s4, s6;
	[dreg:$0x0] =	wrdreg $0x0  }
0xae: {  	s6 =	sshll.u32 s28, $0x1;
	[dreg:$0x2] =	wrdreg s4  }
0xaf: {  	[dreg:$0x3] =	wrdreg s6  }
0xb0: {  	[dreg:$0x4] =	wrdreg $0xC0  }
0xb1: {  	_ =	task [dreg:s8], $0x5FFFF  }
0xb2: {  	[dreg:$0x1] =	wrdreg $0xFFFFFFFF  }
0xb3: {  	[dreg:$0x0] =	wrdreg $0x60  }
0xb4: {  	[dreg:$0x2] =	wrdreg s15  }
0xb5: {  	[dreg:$0x3] =	wrdreg s24  }
0xb6: {  	[dreg:$0x4] =	wrdreg s16  }
0xb7: {  	[dreg:$0x5] =	wrdreg $0x9  }
0xb8: {  	_ =	task.clear_ibuf [dreg:s8], $0x6FFFF;
	_ =	strace $0x90000046  }
0xb9: {  	s29 =	simm.s32 $0x9;
	_ =	strace $0x80000048  }
0xba: {  	_ =	swait.ge [sflag:s29], $0x1  }
0xbb: {  	[sflag:s29] =	ssyncadd.s32 $0xFFFFFFFF  }
0xbc: {  	_ =	strace $0x90000048  }
0xbd: {  	_ =	sfence  }
0xbe: {  	s30 =	sld [smem:$0x0];
	_ =	sdelay $0x2  }
0xbf: {  	s31 =	sshll.u32 s1, $0xD;
	s1 =	sshrl.u32 s1, $0x2  }
0xc0: {  	s3 =	sand.u32 $0x4000, s31;
	s1 =	sadd.s32 s1, s30  }
0xc1: {  	s0 =	sor.u32 s3, s0;
	s1 =	sshll.u32 s1, $0x11  }
0xc2: {  	s0 =	sor.u32 s1, s0  }
0xc3: {  	s0 =	sadd.s32 $0x8F2B, s0  }
0xc4: {  	[sflag:s0] =	ssyncadd.remote.s32 $0x1  }
0xc5: {  	_ =	sfence.sel $0xFFFF  }
0xc6: {  	[dreg:$0x0] =	wrdreg $0xFFFFFFFF;
	(pc) =	sbr.abs _section_cstart, $3  }
0xc7: {  	[dreg:$0x1] =	wrdreg $0xFFFFFFFF  }
0xc8: {  	_ =	task.clear_ibuf [dreg:s8], $0x2FFFF;
	_ =	strace $0x9FFFFFFF  }
0xc9: {  	(tm) =	ssettm $0x7FFFFFFF  }
tec
execute0_lowered:
.L_overlay_start_1:
0x0: {  	(tag) =	ssettag $0x1  }
0x1: {  	v1 =	vimm.s32 $0x0;
	v0 =	vlaneseq.u32  }
0x2: {  	vm14 =	vcmask $0x300;
	v2 =	vimm.s32 $0x2C70;
	vm13 =	vcmask $0x704  }
0x3: {  	vm12 =	vcmask $0xB08;
	vm11 =	vcmask $0xF0C;
	vm10 =	vcmask $0x1310  }
0x4: {  	vm9 =	vcmask $0x1714;
	vm8 =	vcmask $0x1B18;
	vm7 =	vcmask $0x1F1C  }
0x5: {  	vm6 =	vcmask $0x2320;
	vm5 =	vcmask $0x2724;
	vm4 =	vcmask $0x2B28  }
0x6: {  	vm3 =	vcmask $0x2F2C;
	vm2 =	vcmask $0x3330;
	vm1 =	vcmask $0x3734  }
0x7: {  	vm0 =	vcmask $0x3B38;
	v18 =	vimm.s32 $0x7D70;
	v19 =	vimm.s32 $0x2C71  }
0x8: {  	v20 =	vimm.s32 $0x7D71;
	v21 =	vimm.s32 $0x2C72;
	v22 =	vimm.s32 $0x7D72  }
0x9: {  	v23 =	vimm.s32 $0x2C73;
	v24 =	vimm.s32 $0x7D73;
	v25 =	vimm.s32 $0x2C74  }
0xa: {  	v26 =	vimm.s32 $0x7D74;
	v27 =	vimm.s32 $0x2C75;
	v28 =	vimm.s32 $0x7D75  }
0xb: {  	v29 =	vimm.s32 $0x2C76;
	v30 =	vimm.s32 $0x7D76;
	v31 =	vimm.s32 $0x2C77  }
0xc: {  	v32 =	vimm.s32 $0x7D77;
	v0 =	vmul.u32 $0x418, v0;
	v1 =	vsel vm14, $0x3, v1  }
0xd: {  	v3 =	vsel vm14, $0x0, v2;
	v18 =	vsel vm14, $0x5100, v18;
	v19 =	vsel vm14, $0x1, v19  }
0xe: {  	v20 =	vsel vm14, $0x5101, v20;
	v21 =	vsel vm14, $0x2, v21;
	v22 =	vsel vm14, $0x5102, v22  }
0xf: {  	v23 =	vsel vm14, $0x3, v23;
	v24 =	vsel vm14, $0x5103, v24;
	v25 =	vsel vm14, $0x4, v25  }
0x10: {  	v26 =	vsel vm14, $0x5104, v26;
	v27 =	vsel vm14, $0x5, v27;
	v28 =	vsel vm14, $0x5105, v28  }
0x11: {  	v29 =	vsel vm14, $0x6, v29;
	v30 =	vsel vm14, $0x5106, v30;
	v31 =	vsel vm14, $0x7, v31  }
0x12: {  	v32 =	vsel vm14, $0x5107, v32;
	v4 =	vsel vm13, $0x90, v3;
	v18 =	vsel vm13, $0x5190, v18  }
0x13: {  	v19 =	vsel vm13, $0x91, v19;
	v20 =	vsel vm13, $0x5191, v20;
	v21 =	vsel vm13, $0x92, v21  }
0x14: {  	v22 =	vsel vm13, $0x5192, v22;
	v23 =	vsel vm13, $0x93, v23;
	v24 =	vsel vm13, $0x5193, v24  }
0x15: {  	v25 =	vsel vm13, $0x94, v25;
	v26 =	vsel vm13, $0x5194, v26;
	v27 =	vsel vm13, $0x95, v27  }
0x16: {  	v28 =	vsel vm13, $0x5195, v28;
	v29 =	vsel vm13, $0x96, v29;
	v30 =	vsel vm13, $0x5196, v30  }
0x17: {  	v31 =	vsel vm13, $0x97, v31;
	v32 =	vsel vm13, $0x5197, v32;
	v2 =	vadd.s32 $0x4180, v0  }
0x18: {  	v3 =	vor.u32 $0x1, v0;
	v5 =	vsel vm12, $0x120, v4;
	v4 =	vadd.s32 $0x4181, v0  }
0x19: {  	v16 =	vadd.s32 $0x4187, v0;
	v18 =	vsel vm12, $0x5220, v18;
	v19 =	vsel vm12, $0x121, v19  }
0x1a: {  	v20 =	vsel vm12, $0x5221, v20;
	v21 =	vsel vm12, $0x122, v21;
	v22 =	vsel vm12, $0x5222, v22  }
0x1b: {  	v23 =	vsel vm12, $0x123, v23;
	v24 =	vsel vm12, $0x5223, v24;
	v25 =	vsel vm12, $0x124, v25  }
0x1c: {  	v26 =	vsel vm12, $0x5224, v26;
	v27 =	vsel vm12, $0x125, v27;
	v28 =	vsel vm12, $0x5225, v28  }
0x1d: {  	v29 =	vsel vm12, $0x126, v29;
	v30 =	vsel vm12, $0x5226, v30;
	v31 =	vsel vm12, $0x127, v31  }
0x1e: {  	v32 =	vsel vm12, $0x5227, v32;
	v6 =	vsel vm11, $0x1B0, v5;
	v5 =	vor.u32 $0x2, v0  }
0x1f: {  	v18 =	vsel vm11, $0x52B0, v18;
	v19 =	vsel vm11, $0x1B1, v19;
	v20 =	vsel vm11, $0x52B1, v20  }
0x20: {  	v21 =	vsel vm11, $0x1B2, v21;
	v22 =	vsel vm11, $0x52B2, v22;
	v23 =	vsel vm11, $0x1B3, v23  }
0x21: {  	v24 =	vsel vm11, $0x52B3, v24;
	v25 =	vsel vm11, $0x1B4, v25;
	v26 =	vsel vm11, $0x52B4, v26  }
0x22: {  	v27 =	vsel vm11, $0x1B5, v27;
	v28 =	vsel vm11, $0x52B5, v28;
	v29 =	vsel vm11, $0x1B6, v29  }
0x23: {  	v30 =	vsel vm11, $0x52B6, v30;
	v31 =	vsel vm11, $0x1B7, v31;
	v32 =	vsel vm11, $0x52B7, v32  }
0x24: {  	v7 =	vsel vm10, $0x240, v6;
	v6 =	vadd.s32 $0x4182, v0;
	v18 =	vsel vm10, $0x5340, v18  }
0x25: {  	v19 =	vsel vm10, $0x241, v19;
	v20 =	vsel vm10, $0x5341, v20;
	v21 =	vsel vm10, $0x242, v21  }
0x26: {  	v22 =	vsel vm10, $0x5342, v22;
	v23 =	vsel vm10, $0x243, v23;
	v24 =	vsel vm10, $0x5343, v24  }
0x27: {  	v25 =	vsel vm10, $0x244, v25;
	v26 =	vsel vm10, $0x5344, v26;
	v27 =	vsel vm10, $0x245, v27  }
0x28: {  	v28 =	vsel vm10, $0x5345, v28;
	v29 =	vsel vm10, $0x246, v29;
	v30 =	vsel vm10, $0x5346, v30  }
0x29: {  	v31 =	vsel vm10, $0x247, v31;
	v32 =	vsel vm10, $0x5347, v32;
	v8 =	vsel vm9, $0x2D0, v7  }
0x2a: {  	v7 =	vor.u32 $0x3, v0;
	v18 =	vsel vm9, $0x53D0, v18;
	v19 =	vsel vm9, $0x2D1, v19  }
0x2b: {  	v20 =	vsel vm9, $0x53D1, v20;
	v21 =	vsel vm9, $0x2D2, v21;
	v22 =	vsel vm9, $0x53D2, v22  }
0x2c: {  	v23 =	vsel vm9, $0x2D3, v23;
	v24 =	vsel vm9, $0x53D3, v24;
	v25 =	vsel vm9, $0x2D4, v25  }
0x2d: {  	v26 =	vsel vm9, $0x53D4, v26;
	v27 =	vsel vm9, $0x2D5, v27;
	v28 =	vsel vm9, $0x53D5, v28  }
0x2e: {  	v29 =	vsel vm9, $0x2D6, v29;
	v30 =	vsel vm9, $0x53D6, v30;
	v31 =	vsel vm9, $0x2D7, v31  }
0x2f: {  	v32 =	vsel vm9, $0x53D7, v32;
	v9 =	vsel vm8, $0x360, v8;
	v8 =	vadd.s32 $0x4183, v0  }
0x30: {  	v18 =	vsel vm8, $0x5460, v18;
	v19 =	vsel vm8, $0x361, v19;
	v20 =	vsel vm8, $0x5461, v20  }
0x31: {  	v21 =	vsel vm8, $0x362, v21;
	v22 =	vsel vm8, $0x5462, v22;
	v23 =	vsel vm8, $0x363, v23  }
0x32: {  	v24 =	vsel vm8, $0x5463, v24;
	v25 =	vsel vm8, $0x364, v25;
	v26 =	vsel vm8, $0x5464, v26  }
0x33: {  	v27 =	vsel vm8, $0x365, v27;
	v28 =	vsel vm8, $0x5465, v28;
	v29 =	vsel vm8, $0x366, v29  }
0x34: {  	v30 =	vsel vm8, $0x5466, v30;
	v31 =	vsel vm8, $0x367, v31;
	v32 =	vsel vm8, $0x5467, v32  }
0x35: {  	v10 =	vsel vm7, $0x3F0, v9;
	v9 =	vor.u32 $0x4, v0;
	v18 =	vsel vm7, $0x54F0, v18  }
0x36: {  	v19 =	vsel vm7, $0x3F1, v19;
	v20 =	vsel vm7, $0x54F1, v20;
	v21 =	vsel vm7, $0x3F2, v21  }
0x37: {  	v22 =	vsel vm7, $0x54F2, v22;
	v23 =	vsel vm7, $0x3F3, v23;
	v24 =	vsel vm7, $0x54F3, v24  }
0x38: {  	v25 =	vsel vm7, $0x3F4, v25;
	v26 =	vsel vm7, $0x54F4, v26;
	v27 =	vsel vm7, $0x3F5, v27  }
0x39: {  	v28 =	vsel vm7, $0x54F5, v28;
	v29 =	vsel vm7, $0x3F6, v29;
	v30 =	vsel vm7, $0x54F6, v30  }
0x3a: {  	v31 =	vsel vm7, $0x3F7, v31;
	v32 =	vsel vm7, $0x54F7, v32;
	v11 =	vsel vm6, $0x2880, v10  }
0x3b: {  	v10 =	vadd.s32 $0x4184, v0;
	v18 =	vsel vm6, $0x7980, v18;
	v19 =	vsel vm6, $0x2881, v19  }
0x3c: {  	v20 =	vsel vm6, $0x7981, v20;
	v21 =	vsel vm6, $0x2882, v21;
	v22 =	vsel vm6, $0x7982, v22  }
0x3d: {  	v23 =	vsel vm6, $0x2883, v23;
	v24 =	vsel vm6, $0x7983, v24;
	v25 =	vsel vm6, $0x2884, v25  }
0x3e: {  	v26 =	vsel vm6, $0x7984, v26;
	v27 =	vsel vm6, $0x2885, v27;
	v28 =	vsel vm6, $0x7985, v28  }
0x3f: {  	v29 =	vsel vm6, $0x2886, v29;
	v30 =	vsel vm6, $0x7986, v30;
	v31 =	vsel vm6, $0x2887, v31  }
0x40: {  	v32 =	vsel vm6, $0x7987, v32;
	v12 =	vsel vm5, $0x2910, v11;
	v11 =	vor.u32 $0x5, v0  }
0x41: {  	v18 =	vsel vm5, $0x7A10, v18;
	v19 =	vsel vm5, $0x2911, v19;
	v20 =	vsel vm5, $0x7A11, v20  }
0x42: {  	v21 =	vsel vm5, $0x2912, v21;
	v22 =	vsel vm5, $0x7A12, v22;
	v23 =	vsel vm5, $0x2913, v23  }
0x43: {  	v24 =	vsel vm5, $0x7A13, v24;
	v25 =	vsel vm5, $0x2914, v25;
	v26 =	vsel vm5, $0x7A14, v26  }
0x44: {  	v27 =	vsel vm5, $0x2915, v27;
	v28 =	vsel vm5, $0x7A15, v28;
	v29 =	vsel vm5, $0x2916, v29  }
0x45: {  	v30 =	vsel vm5, $0x7A16, v30;
	v31 =	vsel vm5, $0x2917, v31;
	v32 =	vsel vm5, $0x7A17, v32  }
0x46: {  	v13 =	vsel vm4, $0x29A0, v12;
	v12 =	vadd.s32 $0x4185, v0;
	v18 =	vsel vm4, $0x7AA0, v18  }
0x47: {  	v19 =	vsel vm4, $0x29A1, v19;
	v20 =	vsel vm4, $0x7AA1, v20;
	v21 =	vsel vm4, $0x29A2, v21  }
0x48: {  	v22 =	vsel vm4, $0x7AA2, v22;
	v23 =	vsel vm4, $0x29A3, v23;
	v24 =	vsel vm4, $0x7AA3, v24  }
0x49: {  	v25 =	vsel vm4, $0x29A4, v25;
	v26 =	vsel vm4, $0x7AA4, v26;
	v27 =	vsel vm4, $0x29A5, v27  }
0x4a: {  	v28 =	vsel vm4, $0x7AA5, v28;
	v29 =	vsel vm4, $0x29A6, v29;
	v30 =	vsel vm4, $0x7AA6, v30  }
0x4b: {  	v31 =	vsel vm4, $0x29A7, v31;
	v32 =	vsel vm4, $0x7AA7, v32;
	v14 =	vsel vm3, $0x2A30, v13  }
0x4c: {  	v13 =	vor.u32 $0x6, v0;
	v18 =	vsel vm3, $0x7B30, v18;
	v19 =	vsel vm3, $0x2A31, v19  }
0x4d: {  	v20 =	vsel vm3, $0x7B31, v20;
	v21 =	vsel vm3, $0x2A32, v21;
	v22 =	vsel vm3, $0x7B32, v22  }
0x4e: {  	v23 =	vsel vm3, $0x2A33, v23;
	v24 =	vsel vm3, $0x7B33, v24;
	v25 =	vsel vm3, $0x2A34, v25  }
0x4f: {  	v26 =	vsel vm3, $0x7B34, v26;
	v27 =	vsel vm3, $0x2A35, v27;
	v28 =	vsel vm3, $0x7B35, v28  }
0x50: {  	v29 =	vsel vm3, $0x2A36, v29;
	v30 =	vsel vm3, $0x7B36, v30;
	v31 =	vsel vm3, $0x2A37, v31  }
0x51: {  	v32 =	vsel vm3, $0x7B37, v32;
	v15 =	vsel vm2, $0x2AC0, v14;
	v14 =	vadd.s32 $0x4186, v0  }
0x52: {  	v18 =	vsel vm2, $0x7BC0, v18;
	v19 =	vsel vm2, $0x2AC1, v19;
	v20 =	vsel vm2, $0x7BC1, v20  }
0x53: {  	v21 =	vsel vm2, $0x2AC2, v21;
	v22 =	vsel vm2, $0x7BC2, v22;
	v23 =	vsel vm2, $0x2AC3, v23  }
0x54: {  	s0 =	rddreg [dreg:$0x0];
	v24 =	vsel vm2, $0x7BC3, v24;
	v25 =	vsel vm2, $0x2AC4, v25;
	v26 =	vsel vm2, $0x7BC4, v26  }
0x55: {  	s1 =	rddreg [dreg:$0x1];
	v27 =	vsel vm2, $0x2AC5, v27;
	v28 =	vsel vm2, $0x7BC5, v28;
	v29 =	vsel vm2, $0x2AC6, v29  }
0x56: {  	s6 =	rddreg [dreg:$0x2];
	v30 =	vsel vm2, $0x7BC6, v30;
	v31 =	vsel vm2, $0x2AC7, v31;
	v32 =	vsel vm2, $0x7BC7, v32  }
0x57: {  	s3 =	srdreg.scid;
	s7 =	stileid.u32;
	s2 =	simm.s32 $0x0;
	v17 =	vsel vm1, $0x2B50, v15;
	v15 =	vor.u32 $0x7, v0;
	v18 =	vsel vm1, $0x7C50, v18  }
0x58: {  	s9 =	simm.s32 $0x80;
	s11 =	simm.s32 $0x4000;
	s22 =	simm.s32 $0x13300;
	v19 =	vsel vm1, $0x2B51, v19;
	v20 =	vsel vm1, $0x7C51, v20;
	v21 =	vsel vm1, $0x2B52, v21  }
0x59: {  	s23 =	simm.s32 $0x1;
	s24 =	simm.s32 $0x14300;
	s4 =	sand.u32 $0x1, s3;
	v22 =	vsel vm1, $0x7C52, v22;
	v23 =	vsel vm1, $0x2B53, v23;
	v24 =	vsel vm1, $0x7C53, v24  }
0x5a: {  	s25 =	sshll.u32 s7, $0x1;
	[smem:$0x7FF] =	sst s2;
	s7 =	sshll.u32 s7, $0x5;
	v25 =	vsel vm1, $0x2B54, v25;
	v26 =	vsel vm1, $0x7C54, v26;
	v27 =	vsel vm1, $0x2B55, v27  }
0x5b: {  	s5 =	sor.u32 s4, s25;
	_ =	strace $0x80000047;
	s26 =	ssub.s32 $0x2, s4;
	v28 =	vsel vm1, $0x7C55, v28;
	v29 =	vsel vm1, $0x2B56, v29;
	v30 =	vsel vm1, $0x7C56, v30  }
0x5c: {  	s7 =	sand.u32 $0x1C0, s7;
	s3 =	sshll.u32 s5, $0x2;
	s29 =	sshrl.u32 s26, $0x1;
	v31 =	vsel vm1, $0x2B57, v31;
	v32 =	vsel vm1, $0x7C57, v32;
	v17 =	vsel vm0, $0x2BE0, v17  }
0x5d: {  	s8 =	sand.u32 $0xC, s3;
	s3 =	sadd.s32 $0x400, s1;
	s1 =	ssub.s32 s26, s29;
	v18 =	vsel vm0, $0x7CE0, v18;
	v19 =	vsel vm0, $0x2BE1, v19;
	v20 =	vsel vm0, $0x7CE1, v20  }
0x5e: {  	s25 =	simm.s32 $0x2;
	s28 =	sor.u32 s7, s8;
	s31 =	smax.u32 s1, $0x1;
	v21 =	vsel vm0, $0x2BE2, v21;
	v22 =	vsel vm0, $0x7CE2, v22;
	v23 =	vsel vm0, $0x2BE3, v23  }
0x5f: {  	s30 =	sshll.u32 s5, $0x11;
	s4 =	sadd.s32 s0, s28;
	[dreg:$0x6] =	wrdreg s31;
	v24 =	vsel vm0, $0x7CE3, v24;
	v25 =	vsel vm0, $0x2BE4, v25;
	v26 =	vsel vm0, $0x7CE4, v26  }
0x60: {  	s6 =	sadd.s32 s6, s30;
	[dreg:$0x4] =	wrdreg s4;
	s4 =	sadd.s32 $0x1000, s4;
	v27 =	vsel vm0, $0x2BE5, v27;
	v28 =	vsel vm0, $0x7CE5, v28;
	v29 =	vsel vm0, $0x2BE6, v29  }
0x61: {  	s8 =	simm.s32 $0x20;
	[dreg:$0x5] =	wrdreg s4;
	s4 =	simm.s32 $0x0;
	v30 =	vsel vm0, $0x7CE6, v30;
	v31 =	vsel vm0, $0x2BE7, v31;
	v32 =	vsel vm0, $0x7CE7, v32  }
.LBB2_1:
0x62: {  	s0 =	simm.s32 $0x0;
	s15 =	rddreg [dreg:$0x4]  }
0x63: {  	[tilespmem:s0], [sflag:$0x4] =	stream.strided.gather [hbm4b:s15+s8], $0x80, s9, s8, $0x38;
	[tilespmem:$0x1E500] =	vst v63  }
0x64: {  	s1 =	simm.s32 $0x80;
	s16 =	sadd.s32 $0x200, s15  }
0x65: {  	[tilespmem:s1], [sflag:$0x4] =	stream.strided.gather [hbm4b:s16+s8], $0x80, s9, s8, $0x38;
	[tilespmem:$0x1E500] =	vst v63  }
0x66: {  	[dreg:$0x7] =	wrdreg s4;
	s18 =	simm.s32 $0x100;
	s17 =	sadd.s32 $0x400, s15  }
0x67: {  	[tilespmem:s18], [sflag:$0x4] =	stream.strided.gather [hbm4b:s17+s8], $0x80, s9, s8, $0x38;
	[tilespmem:$0x1E500] =	vst v63  }
0x68: {  	s20 =	simm.s32 $0x180;
	s26 =	simm.s32 $0x200;
	s19 =	sadd.s32 $0x600, s15  }
0x69: {  	[tilespmem:s20], [sflag:$0x4] =	stream.strided.gather [hbm4b:s19+s8], $0x80, s9, s8, $0x38;
	[tilespmem:$0x1E500] =	vst v63  }
0x6a: {  	s29 =	simm.s32 $0x280;
	s31 =	simm.s32 $0x300;
	s21 =	sadd.s32 $0x800, s15  }
0x6b: {  	[tilespmem:s26], [sflag:$0x4] =	stream.strided.gather [hbm4b:s21+s8], $0x80, s9, s8, $0x38;
	[tilespmem:$0x1E500] =	vst v63  }
0x6c: {  	s10 =	simm.s32 $0x380;
	s28 =	sadd.s32 $0xA00, s15;
	s30 =	sadd.s32 $0xC00, s15  }
0x6d: {  	[tilespmem:s29], [sflag:$0x4] =	stream.strided.gather [hbm4b:s28+s8], $0x80, s9, s8, $0x38;
	[tilespmem:$0x1E500] =	vst v63  }
0x6e: {  	s0 =	simm.s32 $0x1000;
	s7 =	sadd.s32 $0xE00, s15;
	s1 =	sadd.s32 $0x2000, s15  }
0x6f: {  	[tilespmem:s31], [sflag:$0x4] =	stream.strided.gather [hbm4b:s30+s8], $0x80, s9, s8, $0x38;
	[tilespmem:$0x1E500] =	vst v63  }
.LBB2_2:
0x70: {  	[tilespmem:s10], [sflag:$0x4] =	stream.strided.gather [hbm4b:s7+s8], $0x80, s9, s8, $0x38;
	[tilespmem:$0x1E500] =	vst v63  }
0x71: {  	s10 =	sshra.s32 s0, $0x2;
	p0 =	sne.s32 s0, $0xF000;
	s0 =	sadd.s32 $0x1000, s0  }
0x72: {  	[tilespmem:s10], [sflag:$0x4] =	stream.strided.gather [hbm4b:s1+s8], $0x80, s9, s8, $0x38;
	[tilespmem:$0x1E500] =	vst v63  }
0x73: {  	s7 =	sadd.s32 $0x200, s1;
	s12 =	sadd.s32 $0x80, s10  }
0x74: {  	[tilespmem:s12], [sflag:$0x4] =	stream.strided.gather [hbm4b:s7+s8], $0x80, s9, s8, $0x38;
	[tilespmem:$0x1E500] =	vst v63  }
0x75: {  	s7 =	sadd.s32 $0x400, s1;
	s12 =	sadd.s32 $0x100, s10  }
0x76: {  	[tilespmem:s12], [sflag:$0x4] =	stream.strided.gather [hbm4b:s7+s8], $0x80, s9, s8, $0x38;
	[tilespmem:$0x1E500] =	vst v63  }
0x77: {  	s7 =	sadd.s32 $0x600, s1;
	s12 =	sadd.s32 $0x180, s10  }
0x78: {  	[tilespmem:s12], [sflag:$0x4] =	stream.strided.gather [hbm4b:s7+s8], $0x80, s9, s8, $0x38;
	[tilespmem:$0x1E500] =	vst v63  }
0x79: {  	s7 =	sadd.s32 $0x800, s1;
	s12 =	sadd.s32 $0x200, s10  }
0x7a: {  	[tilespmem:s12], [sflag:$0x4] =	stream.strided.gather [hbm4b:s7+s8], $0x80, s9, s8, $0x38;
	[tilespmem:$0x1E500] =	vst v63  }
.Ltmp0:
0x7b: {  	s7 =	sadd.s32 $0xA00, s1;
	s12 =	sadd.s32 $0x280, s10;
	(pc) =	sbr.rel @p0 .LBB2_2-.Ltmp0, $4  }
0x7c: {  	[tilespmem:s12], [sflag:$0x4] =	stream.strided.gather [hbm4b:s7+s8], $0x80, s9, s8, $0x38;
	[tilespmem:$0x1E500] =	vst v63  }
0x7d: {  	s7 =	sadd.s32 $0xC00, s1;
	s12 =	sadd.s32 $0x300, s10  }
0x7e: {  	[tilespmem:s12], [sflag:$0x4] =	stream.strided.gather [hbm4b:s7+s8], $0x80, s9, s8, $0x38;
	[tilespmem:$0x1E500] =	vst v63  }
0x7f: {  	s10 =	sadd.s32 $0x380, s10;
	s7 =	sadd.s32 $0xE00, s1;
	s1 =	sadd.s32 $0x2000, s1  }
0x80: {  	[tilespmem:s10], [sflag:$0x4] =	stream.strided.gather [hbm4b:s7+s8], $0x80, s9, s8, $0x38;
	[tilespmem:$0x1E500] =	vst v63  }
0x81: {  	s0 =	simm.s32 $0x0  }
0x82: {  	s0 =	sand.u32 $0x4, s0  }
0x83: {  	s1 =	simm.s32 $0x0;
	s17 =	sor.u32 $0x3, s0  }
0x84: {  	s4 =	simm.s32 $0x4;
	s1 =	sand.u32 $0xFFFFFFC0, s1;
	s18 =	sshll.u32 s17, $0x2  }
0x85: {  	s12 =	sor.u32 $0x2, s0;
	s14 =	sshll.u32 s0, $0x2;
	s7 =	sor.u32 s1, s18  }
0x86: {  	s20 =	simm.s32 $0x0;
	s13 =	sshll.u32 s12, $0x2;
	s19 =	sor.u32 s14, s1;
	v33 =	vmov s7  }
0x87: {  	_ =	swait.ge [sflag:s4], $0x4000;
	s21 =	sand.u32 $0x3FFFFC00, s20;
	v35 =	vmov s19;
	s7 =	sor.u32 s1, s13;
	v33 =	vshrl.u32 v33, $0x3  }
0x88: {  	[sflag:s4] =	ssyncset.done $0x0;
	s15 =	sor.u32 $0x1, s0;
	s0 =	sshll.u32 s0, $0x7;
	v35 =	vshrl.u32 v35, $0x3;
	v34 =	vmov s7;
	v33 =	vshll.u32 v33, v1  }
0x89: {  	[sflag:s4] =	ssyncadd.s32 $0xFFFFC000;
	s26 =	sshll.u32 s15, $0x2;
	s10 =	sshll.u32 s17, $0x7;
	v35 =	vshll.u32 v35, v1;
	v36 =	vshrl.u32 v34, $0x3;
	v34 =	vbroadcast v33, $0x0  }
0x8a: {  	s28 =	sshll.u32 s12, $0x7;
	s12 =	sor.u32 s10, s21;
	s1 =	sor.u32 s1, s26;
	v33 =	vbroadcast v35, $0x0  }
0x8b: {  	s29 =	sor.u32 s0, s21;
	v37 =	vld [tilespmem:s12+$0x0];
	v44 =	vmov s1;
	v43 =	vshll.u32 v36, v1;
	v38 =	vadd.s32 v9, v34  }
0x8c: {  	v42 =	vld [tilespmem:s29+$0x0];
	v35 =	vshrl.u32 v44, $0x3;
	v36 =	vbroadcast v43, $0x0;
	v41 =	vadd.s32 v0, v33  }
0x8d: {  	s1 =	sor.u32 s28, s21;
	v35 =	vshll.u32 v35, v1  }
0x8e: {  	s4 =	sshll.u32 s15, $0x7;
	v40 =	vld [tilespmem:s1+$0x0];
	v35 =	vbroadcast v35, $0x0;
	v39 =	vadd.s32 v0, v36  }
0x8f: {  	s30 =	sor.u32 s4, s21  }
0x90: {  	v45 =	vld [tilespmem:s30+$0x0];
	v43 =	vadd.s32 v9, v35;
	[tilespmem:v38+s11+$0x0] =	vst.idx.msk $0xffff, v37  }
0x91: {  	v46 =	vadd.s32 v10, v34;
	[tilespmem:v41+s11+$0x0] =	vst.idx.msk $0xffff, v42;
	v38 =	vld [tilespmem:s12+$0x10]  }
0x92: {  	v47 =	vadd.s32 v2, v33;
	v41 =	vld [tilespmem:s29+$0x10]  }
0x93: {  	s15 =	simm.s32 $0x4;
	[tilespmem:v39+s11+$0x0] =	vst.idx.msk $0xffff, v40  }
0x94: {  	s5 =	sand.u32 $0x4, s15;
	v36 =	vadd.s32 v2, v36;
	v40 =	vld [tilespmem:s1+$0x10]  }
0x95: {  	s18 =	simm.s32 $0x20;
	s19 =	sor.u32 $0x3, s5;
	[tilespmem:v43+s11+$0x0] =	vst.idx.msk $0xffff, v45  }
0x96: {  	s16 =	sand.u32 $0xFFFFFFC0, s18;
	s20 =	sshll.u32 s19, $0x2;
	v48 =	vadd.s32 v10, v35;
	v37 =	vld [tilespmem:s30+$0x10];
	[tilespmem:v46+s11+$0x0] =	vst.idx.msk $0xffff, v38  }
0x97: {  	s17 =	simm.s32 $0x200;
	s26 =	sor.u32 $0x2, s5;
	s10 =	sor.u32 s16, s20;
	v50 =	vadd.s32 v11, v34;
	[tilespmem:v47+s11+$0x0] =	vst.idx.msk $0xffff, v41;
	v49 =	vld [tilespmem:s12+$0x20]  }
0x98: {  	s17 =	sand.u32 $0x3FFFFC00, s17;
	s28 =	sshll.u32 s26, $0x2;
	v53 =	vmov s10;
	v52 =	vadd.s32 v3, v33;
	v42 =	vld [tilespmem:s29+$0x20]  }
0x99: {  	s13 =	sor.u32 $0x1, s7;
	s14 =	sshll.u32 s19, $0x7;
	s19 =	sor.u32 s16, s28;
	v55 =	vshrl.u32 v53, $0x3;
	[tilespmem:v36+s11+$0x0] =	vst.idx.msk $0xffff, v40  }
0x9a: {  	v51 =	vadd.s32 s13, v0;
	s0 =	sor.u32 s14, s17;
	v45 =	vmov s19;
	v36 =	vshll.u32 v55, v1;
	v40 =	vld [tilespmem:s1+$0x20]  }
0x9b: {  	s18 =	sshll.u32 s5, $0x2;
	s26 =	sshll.u32 s26, $0x7;
	v45 =	vshrl.u32 v45, $0x3;
	v46 =	vld [tilespmem:s0+$0x0];
	[tilespmem:v48+s11+$0x0] =	vst.idx.msk $0xffff, v37;
	v36 =	vbroadcast v36, $0x0  }
0x9c: {  	s21 =	sor.u32 s18, s16;
	v44 =	vadd.s32 v11, v35;
	v45 =	vshll.u32 v45, v1;
	v47 =	vadd.s32 s13, v2;
	s13 =	sor.u32 s26, s17;
	v38 =	vld [tilespmem:s30+$0x20];
	[tilespmem:v50+s11+$0x0] =	vst.idx.msk $0xffff, v49  }
0x9d: {  	s4 =	sshll.u32 s5, $0x7;
	s5 =	sor.u32 $0x1, s5;
	v57 =	vmov s21;
	v39 =	vbroadcast v45, $0x0;
	v48 =	vadd.s32 v9, v36;
	[tilespmem:v52+s11+$0x0] =	vst.idx.msk $0xffff, v42;
	v52 =	vld [tilespmem:s13+$0x0]  }
0x9e: {  	s20 =	sshll.u32 s5, $0x2;
	v54 =	vadd.s32 v12, v34;
	v37 =	vshrl.u32 v57, $0x3;
	v56 =	vld [tilespmem:s12+$0x30]  }
0x9f: {  	s21 =	sor.u32 s16, s20;
	v61 =	vadd.s32 v0, v39;
	v37 =	vshll.u32 v37, v1;
	[tilespmem:v51+s11+$0x0] =	vst.idx.msk $0xffff, v40;
	v43 =	vld [tilespmem:s29+$0x30]  }
0xa0: {  	s31 =	sor.u32 s4, s17;
	v59 =	vmov s21;
	v58 =	vadd.s32 v4, v33;
	v37 =	vbroadcast v37, $0x0;
	v41 =	vld [tilespmem:s1+$0x30]  }
0xa1: {  	[tilespmem:v44+s11+$0x0] =	vst.idx.msk $0xffff, v38;
	v44 =	vld [tilespmem:s31+$0x0];
	v38 =	vshrl.u32 v59, $0x3  }
0xa2: {  	v51 =	vadd.s32 v0, v37;
	v49 =	vld [tilespmem:s30+$0x30];
	v38 =	vshll.u32 v38, v1;
	[tilespmem:v48+s11+$0x0] =	vst.idx.msk $0xffff, v46  }
0xa3: {  	s5 =	sshll.u32 s5, $0x7;
	v50 =	vadd.s32 v12, v35;
	v38 =	vbroadcast v38, $0x0;
	v59 =	vld [tilespmem:s0+$0x10];
	[tilespmem:v54+s11+$0x0] =	vst.idx.msk $0xffff, v56  }
0xa4: {  	s14 =	sor.u32 s5, s17;
	v60 =	vadd.s32 v13, v34;
	[tilespmem:v61+s11+$0x0] =	vst.idx.msk $0xffff, v52;
	v40 =	vld [tilespmem:s12+$0x40]  }
0xa5: {  	[tilespmem:v58+s11+$0x0] =	vst.idx.msk $0xffff, v43;
	v63 =	vadd.s32 v9, v38;
	v56 =	vld [tilespmem:s14+$0x0]  }
0xa6: {  	s28 =	sor.u32 $0x2, s7;
	v39 =	vadd.s32 v2, v39;
	v52 =	vld [tilespmem:s13+$0x10];
	[tilespmem:v47+s11+$0x0] =	vst.idx.msk $0xffff, v41  }
0xa7: {  	v62 =	vadd.s32 s28, v0;
	[tilespmem:v51+s11+$0x0] =	vst.idx.msk $0xffff, v44;
	v41 =	vld [tilespmem:s1+$0x40]  }
0xa8: {  	v58 =	vadd.s32 v5, v33;
	v43 =	vld [tilespmem:s29+$0x40];
	[tilespmem:v50+s11+$0x0] =	vst.idx.msk $0xffff, v49  }
0xa9: {  	v57 =	vadd.s32 v13, v35;
	v49 =	vld [tilespmem:s30+$0x40];
	[tilespmem:v60+s11+$0x0] =	vst.idx.msk $0xffff, v40  }
0xaa: {  	v61 =	vadd.s32 v14, v34;
	[tilespmem:v63+s11+$0x0] =	vst.idx.msk $0xffff, v56;
	v60 =	vld [tilespmem:s12+$0x50]  }
0xab: {  	v53 =	vadd.s32 v2, v37;
	v63 =	vld [tilespmem:s31+$0x10];
	[tilespmem:v39+s11+$0x0] =	vst.idx.msk $0xffff, v52  }
0xac: {  	v46 =	vld [tilespmem:s14+$0x10];
	[tilespmem:v62+s11+$0x0] =	vst.idx.msk $0xffff, v41;
	v62 =	vadd.s32 v10, v36  }
0xad: {  	v55 =	vadd.s32 s28, v2;
	[tilespmem:v58+s11+$0x0] =	vst.idx.msk $0xffff, v43;
	v54 =	vld [tilespmem:s1+$0x50]  }
0xae: {  	v50 =	vadd.s32 v6, v33;
	v48 =	vld [tilespmem:s29+$0x50];
	[tilespmem:v57+s11+$0x0] =	vst.idx.msk $0xffff, v49  }
0xaf: {  	v49 =	vadd.s32 v14, v35;
	v44 =	vld [tilespmem:s30+$0x50];
	[tilespmem:v61+s11+$0x0] =	vst.idx.msk $0xffff, v60  }
0xb0: {  	s7 =	sor.u32 $0x3, s7;
	s18 =	sor.u32 $0x1, s19;
	v47 =	vadd.s32 v15, v34;
	[tilespmem:v53+s11+$0x0] =	vst.idx.msk $0xffff, v63;
	v45 =	vld [tilespmem:s12+$0x60]  }
0xb1: {  	s16 =	sor.u32 $0x3, s19;
	v42 =	vadd.s32 s7, v0;
	v39 =	vadd.s32 v7, v33;
	v51 =	vld [tilespmem:s13+$0x20];
	v53 =	vadd.s32 s18, v0;
	[tilespmem:v62+s11+$0x0] =	vst.idx.msk $0xffff, v59  }
0xb2: {  	s17 =	sor.u32 $0x2, s19;
	v52 =	vadd.s32 v10, v38;
	v40 =	vadd.s32 v7, v37;
	v41 =	vadd.s32 s16, v0;
	v43 =	vld [tilespmem:s31+$0x20];
	[tilespmem:v55+s11+$0x0] =	vst.idx.msk $0xffff, v54  }
.LBB2_4:
0xb3: {  	s15 =	sadd.s32 $0x4, s15;
	[tilespmem:v50+s11+$0x0] =	vst.idx.msk $0xffff, v48;
	v48 =	vld [tilespmem:s1+$0x60]  }
0xb4: {  	s5 =	sand.u32 $0x4, s15;
	s10 =	sshll.u32 s15, $0x3;
	s26 =	sshll.u32 s15, $0x7;
	v50 =	vld [tilespmem:s29+$0x60];
	[tilespmem:v49+s11+$0x0] =	vst.idx.msk $0xffff, v44;
	v44 =	vadd.s32 v15, v35  }
0xb5: {  	s10 =	sand.u32 $0xFFFFFFC0, s10;
	s26 =	sand.u32 $0x3FFFFC00, s26;
	s28 =	sor.u32 $0x3, s5;
	v49 =	vld [tilespmem:s30+$0x60];
	[tilespmem:v47+s11+$0x0] =	vst.idx.msk $0xffff, v45  }
0xb6: {  	s4 =	sshll.u32 s5, $0x7;
	s19 =	sor.u32 $0x1, s5;
	v47 =	vadd.s32 v11, v36;
	s20 =	sshll.u32 s28, $0x2;
	[tilespmem:v53+s11+$0x0] =	vst.idx.msk $0xffff, v51;
	v45 =	vld [tilespmem:s0+$0x20];
	v51 =	vadd.s32 v8, v33;
	v33 =	vmov v37  }
0xb7: {  	s21 =	sshll.u32 s5, $0x2;
	s5 =	sor.u32 $0x2, s5;
	s20 =	sor.u32 s10, s20;
	v53 =	vadd.s32 v3, v33;
	[tilespmem:v52+s11+$0x0] =	vst.idx.msk $0xffff, v46;
	v46 =	vadd.s32 v16, v35;
	v52 =	vadd.s32 s7, v2;
	v54 =	vld [tilespmem:s12+$0x70]  }
0xb8: {  	v56 =	vadd.s32 v12, v36;
	s7 =	sor.u32 s21, s10;
	s12 =	sshll.u32 s19, $0x2;
	s21 =	sshll.u32 s5, $0x2;
	v58 =	vmov s20;
	v55 =	vld [tilespmem:s14+$0x20];
	[tilespmem:v42+s11+$0x0] =	vst.idx.msk $0xffff, v48;
	v48 =	vadd.s32 v16, v34;
	v34 =	vmovc v36  }
0xb9: {  	v57 =	vadd.s32 v11, v38;
	s4 =	sor.u32 s4, s26;
	v35 =	vmovc v38;
	v36 =	vmov s7;
	s7 =	sor.u32 s10, s12;
	s12 =	sor.u32 s10, s21;
	v42 =	vmovc v41;
	v37 =	vshrl.u32 v58, $0x3;
	[tilespmem:v39+s11+$0x0] =	vst.idx.msk $0xffff, v50;
	v50 =	vld [tilespmem:s1+$0x70]  }
0xba: {  	s5 =	sshll.u32 s5, $0x7;
	v36 =	vshrl.u32 v36, $0x3;
	s1 =	sshll.u32 s19, $0x7;
	v38 =	vmov s12;
	s19 =	sshll.u32 s28, $0x7;
	v39 =	vmovc v40;
	v37 =	vshll.u32 v37, v1;
	v58 =	vld [tilespmem:s29+$0x70];
	[tilespmem:v44+s11+$0x0] =	vst.idx.msk $0xffff, v49  }
0xbb: {  	s20 =	sor.u32 $0x1, s12;
	s10 =	sor.u32 $0x2, s12;
	s12 =	sor.u32 $0x3, s12;
	v40 =	vshll.u32 v36, v1;
	v38 =	vshrl.u32 v38, $0x3;
	v36 =	vbroadcast v37, $0x0;
	[tilespmem:v47+s11+$0x0] =	vst.idx.msk $0xffff, v45;
	v44 =	vld [tilespmem:s30+$0x70]  }
0xbc: {  	p0 =	slt.u32 s15, $0x7C;
	s29 =	smov.u32 s31;
	s31 =	smov.u32 s4;
	v37 =	vbroadcast v40, $0x0;
	v40 =	vmov s7;
	v38 =	vshll.u32 v38, v1;
	[tilespmem:v53+s11+$0x0] =	vst.idx.msk $0xffff, v43;
	v43 =	vld [tilespmem:s0+$0x30]  }
0xbd: {  	s1 =	sor.u32 s1, s26;
	v47 =	vadd.s32 v4, v33;
	s7 =	smov.u32 s16;
	s16 =	smov.u32 s12;
	v40 =	vshrl.u32 v40, $0x3;
	v45 =	vbroadcast v38, $0x0;
	v49 =	vld [tilespmem:s13+$0x30];
	[tilespmem:v48+s11+$0x0] =	vst.idx.msk $0xffff, v54  }
0xbe: {  	s4 =	sor.u32 s19, s26;
	s30 =	smov.u32 s14;
	s14 =	smov.u32 s1;
	v41 =	vadd.s32 s16, v0;
	v48 =	vadd.s32 v0, v37;
	v38 =	vshll.u32 v40, v1;
	v53 =	vld [tilespmem:s29+$0x30];
	[tilespmem:v52+s11+$0x0] =	vst.idx.msk $0xffff, v50  }
0xbf: {  	s12 =	smov.u32 s0;
	s0 =	smov.u32 s4;
	v54 =	vadd.s32 s18, v2;
	s18 =	smov.u32 s20;
	v38 =	vbroadcast v38, $0x0;
	v52 =	vadd.s32 v9, v36;
	v50 =	vld [tilespmem:s4+$0x0];
	[tilespmem:v57+s11+$0x0] =	vst.idx.msk $0xffff, v55  }
0xc0: {  	s1 =	smov.u32 s13;
	v40 =	vadd.s32 v7, v37;
	v55 =	vld [tilespmem:s31+$0x0];
	[tilespmem:v51+s11+$0x0] =	vst.idx.msk $0xffff, v58  }
0xc1: {  	v51 =	vadd.s32 v9, v38;
	v58 =	vadd.s32 v12, v35;
	v57 =	vld [tilespmem:s30+$0x30];
	[tilespmem:v56+s11+$0x0] =	vst.idx.msk $0xffff, v43  }
0xc2: {  	v59 =	vadd.s32 v13, v34;
	s13 =	sor.u32 s5, s26;
	v43 =	vadd.s32 v0, v45;
	v56 =	vld [tilespmem:s12+$0x40];
	[tilespmem:v46+s11+$0x0] =	vst.idx.msk $0xffff, v44  }
0xc3: {  	v44 =	vld [tilespmem:s13+$0x0];
	[tilespmem:v47+s11+$0x0] =	vst.idx.msk $0xffff, v53  }
0xc4: {  	v46 =	vld [tilespmem:s29+$0x40];
	[tilespmem:v54+s11+$0x0] =	vst.idx.msk $0xffff, v49  }
0xc5: {  	v49 =	vadd.s32 s17, v0;
	[tilespmem:v52+s11+$0x0] =	vst.idx.msk $0xffff, v50;
	v47 =	vld [tilespmem:s1+$0x40]  }
0xc6: {  	v50 =	vld [tilespmem:s14+$0x0];
	[tilespmem:v58+s11+$0x0] =	vst.idx.msk $0xffff, v57  }
0xc7: {  	v54 =	vadd.s32 v13, v35;
	v52 =	vadd.s32 v5, v33;
	v53 =	vld [tilespmem:s30+$0x40];
	[tilespmem:v59+s11+$0x0] =	vst.idx.msk $0xffff, v56  }
0xc8: {  	[tilespmem:v48+s11+$0x0] =	vst.idx.msk $0xffff, v55;
	v55 =	vld [tilespmem:s0+$0x10]  }
0xc9: {  	v56 =	vadd.s32 v14, v34;
	[tilespmem:v43+s11+$0x0] =	vst.idx.msk $0xffff, v44;
	v43 =	vld [tilespmem:s12+$0x50]  }
0xca: {  	v45 =	vadd.s32 v2, v45;
	v57 =	vld [tilespmem:s13+$0x10];
	[tilespmem:v49+s11+$0x0] =	vst.idx.msk $0xffff, v47  }
0xcb: {  	v47 =	vadd.s32 v10, v36;
	[tilespmem:v51+s11+$0x0] =	vst.idx.msk $0xffff, v50;
	v58 =	vld [tilespmem:s1+$0x50]  }
0xcc: {  	v59 =	vadd.s32 v2, v37;
	v51 =	vld [tilespmem:s31+$0x10];
	[tilespmem:v54+s11+$0x0] =	vst.idx.msk $0xffff, v53  }
0xcd: {  	v54 =	vadd.s32 s17, v2;
	s17 =	smov.u32 s10;
	[tilespmem:v52+s11+$0x0] =	vst.idx.msk $0xffff, v46;
	v44 =	vld [tilespmem:s30+$0x50]  }
.Ltmp1:
0xce: {  	v49 =	vadd.s32 v14, v35;
	v50 =	vadd.s32 v6, v33;
	v48 =	vld [tilespmem:s29+$0x50];
	[tilespmem:v56+s11+$0x0] =	vst.idx.msk $0xffff, v43;
	(pc) =	sbr.rel @p0 .LBB2_4-.Ltmp1, $4  }
0xcf: {  	v46 =	vld [tilespmem:s14+$0x10];
	[tilespmem:v45+s11+$0x0] =	vst.idx.msk $0xffff, v57  }
0xd0: {  	[tilespmem:v47+s11+$0x0] =	vst.idx.msk $0xffff, v55;
	v45 =	vld [tilespmem:s12+$0x60];
	v47 =	vadd.s32 v15, v34  }
0xd1: {  	v53 =	vadd.s32 s18, v0;
	[tilespmem:v59+s11+$0x0] =	vst.idx.msk $0xffff, v51;
	v51 =	vld [tilespmem:s13+$0x20]  }
0xd2: {  	v52 =	vadd.s32 v10, v38;
	v43 =	vld [tilespmem:s31+$0x20];
	[tilespmem:v54+s11+$0x0] =	vst.idx.msk $0xffff, v58  }
0xd3: {  	_ =	sdelay $0x2  }
0xd4: {  	v54 =	vld [tilespmem:s0+$0x20];
	v55 =	vadd.s32 v11, v36  }
0xd5: {  	v56 =	vadd.s32 v3, v37;
	[tilespmem:v52+s11+$0x0] =	vst.idx.msk $0xffff, v46  }
0xd6: {  	v63 =	vadd.s32 v11, v38;
	v46 =	vld [tilespmem:s14+$0x20];
	_ =	sdelay $0x1  }
0xd7: {  	[tilespmem:v53+s11+$0x0] =	vst.idx.msk $0xffff, v51  }
0xd8: {  	v58 =	vadd.s32 s18, v2;
	v57 =	vld [tilespmem:s13+$0x30];
	[tilespmem:v55+s11+$0x0] =	vst.idx.msk $0xffff, v54  }
0xd9: {  	v51 =	vadd.s32 v12, v36;
	[tilespmem:v56+s11+$0x0] =	vst.idx.msk $0xffff, v43;
	v53 =	vld [tilespmem:s0+$0x30]  }
0xda: {  	v59 =	vadd.s32 v4, v37;
	v60 =	vld [tilespmem:s31+$0x30];
	[tilespmem:v63+s11+$0x0] =	vst.idx.msk $0xffff, v46  }
0xdb: {  	[tilespmem:v50+s11+$0x0] =	vst.idx.msk $0xffff, v48;
	v62 =	vadd.s32 v12, v38;
	v61 =	vld [tilespmem:s14+$0x30]  }
0xdc: {  	[tilespmem:v49+s11+$0x0] =	vst.idx.msk $0xffff, v44  }
0xdd: {  	v63 =	vld [tilespmem:s1+$0x60];
	[tilespmem:v58+s11+$0x0] =	vst.idx.msk $0xffff, v57  }
0xde: {  	v57 =	vadd.s32 s17, v0;
	v43 =	vld [tilespmem:s13+$0x40];
	[tilespmem:v51+s11+$0x0] =	vst.idx.msk $0xffff, v53  }
0xdf: {  	v56 =	vadd.s32 v13, v36;
	[tilespmem:v59+s11+$0x0] =	vst.idx.msk $0xffff, v60;
	v49 =	vld [tilespmem:s0+$0x40]  }
0xe0: {  	v58 =	vadd.s32 v5, v37;
	v52 =	vld [tilespmem:s31+$0x40];
	[tilespmem:v62+s11+$0x0] =	vst.idx.msk $0xffff, v61  }
0xe1: {  	[tilespmem:v47+s11+$0x0] =	vst.idx.msk $0xffff, v45;
	v60 =	vadd.s32 v13, v38;
	v59 =	vld [tilespmem:s14+$0x40]  }
0xe2: {  	[tilespmem:v42+s11+$0x0] =	vst.idx.msk $0xffff, v63;
	v61 =	vld [tilespmem:s29+$0x60]  }
0xe3: {  	v63 =	vld [tilespmem:s30+$0x60];
	v62 =	vadd.s32 v15, v35;
	[tilespmem:v57+s11+$0x0] =	vst.idx.msk $0xffff, v43  }
0xe4: {  	v55 =	vadd.s32 s17, v2;
	v43 =	vld [tilespmem:s13+$0x50];
	[tilespmem:v56+s11+$0x0] =	vst.idx.msk $0xffff, v49  }
0xe5: {  	v54 =	vadd.s32 v14, v36;
	[tilespmem:v58+s11+$0x0] =	vst.idx.msk $0xffff, v52;
	v49 =	vld [tilespmem:s0+$0x50]  }
0xe6: {  	v57 =	vadd.s32 v6, v37;
	v56 =	vld [tilespmem:s31+$0x50];
	[tilespmem:v60+s11+$0x0] =	vst.idx.msk $0xffff, v59  }
0xe7: {  	[tilespmem:v39+s11+$0x0] =	vst.idx.msk $0xffff, v61;
	v59 =	vadd.s32 v14, v38;
	v58 =	vld [tilespmem:s14+$0x50]  }
0xe8: {  	[tilespmem:v62+s11+$0x0] =	vst.idx.msk $0xffff, v63;
	v61 =	vadd.s32 s7, v2;
	v62 =	vld [tilespmem:s1+$0x70]  }
0xe9: {  	v34 =	vadd.s32 v16, v34;
	v60 =	vld [tilespmem:s12+$0x70];
	[tilespmem:v55+s11+$0x0] =	vst.idx.msk $0xffff, v43  }
0xea: {  	v43 =	vld [tilespmem:s13+$0x60];
	[tilespmem:v54+s11+$0x0] =	vst.idx.msk $0xffff, v49  }
0xeb: {  	v63 =	vadd.s32 v15, v36;
	[tilespmem:v57+s11+$0x0] =	vst.idx.msk $0xffff, v56;
	v49 =	vld [tilespmem:s0+$0x60]  }
0xec: {  	v45 =	vld [tilespmem:s31+$0x60];
	[tilespmem:v59+s11+$0x0] =	vst.idx.msk $0xffff, v58  }
0xed: {  	v53 =	vadd.s32 v15, v38;
	[tilespmem:v61+s11+$0x0] =	vst.idx.msk $0xffff, v62;
	v39 =	vld [tilespmem:s14+$0x60]  }
0xee: {  	v33 =	vadd.s32 v8, v33;
	v54 =	vld [tilespmem:s29+$0x70];
	[tilespmem:v34+s11+$0x0] =	vst.idx.msk $0xffff, v60  }
0xef: {  	v55 =	vadd.s32 v16, v35;
	v56 =	vld [tilespmem:s30+$0x70];
	[tilespmem:v41+s11+$0x0] =	vst.idx.msk $0xffff, v43  }
0xf0: {  	v59 =	vadd.s32 s16, v2;
	v60 =	vld [tilespmem:s13+$0x70];
	[tilespmem:v63+s11+$0x0] =	vst.idx.msk $0xffff, v49  }
0xf1: {  	v58 =	vadd.s32 v16, v36;
	[tilespmem:v40+s11+$0x0] =	vst.idx.msk $0xffff, v45;
	v57 =	vld [tilespmem:s0+$0x70]  }
0xf2: {  	v61 =	vadd.s32 v8, v37;
	v62 =	vld [tilespmem:s31+$0x70];
	[tilespmem:v53+s11+$0x0] =	vst.idx.msk $0xffff, v39  }
0xf3: {  	[tilespmem:v33+s11+$0x0] =	vst.idx.msk $0xffff, v54;
	v63 =	vadd.s32 v16, v38;
	v34 =	vld [tilespmem:s14+$0x70]  }
0xf4: {  	[tilespmem:v55+s11+$0x0] =	vst.idx.msk $0xffff, v56  }
0xf5: {  	[tilespmem:v59+s11+$0x0] =	vst.idx.msk $0xffff, v60  }
0xf6: {  	[tilespmem:v58+s11+$0x0] =	vst.idx.msk $0xffff, v57  }
0xf7: {  	[tilespmem:v61+s11+$0x0] =	vst.idx.msk $0xffff, v62  }
0xf8: {  	[tilespmem:v63+s11+$0x0] =	vst.idx.msk $0xffff, v34  }
0xf9: {  	s14 =	simm.s32 $0x0;
	s4 =	rddreg [dreg:$0x5]  }
0xfa: {  	[tilespmem:s14], [sflag:$0x4] =	stream.strided.gather [hbm4b:s4+s8], $0x80, s9, s8, $0x38;
	[tilespmem:$0x1E500] =	vst v63  }
0xfb: {  	s16 =	simm.s32 $0x80;
	s15 =	sadd.s32 $0x200, s4  }
0xfc: {  	[tilespmem:s16], [sflag:$0x4] =	stream.strided.gather [hbm4b:s15+s8], $0x80, s9, s8, $0x38;
	[tilespmem:$0x1E500] =	vst v63  }
0xfd: {  	s18 =	simm.s32 $0x100;
	s17 =	sadd.s32 $0x400, s4  }
0xfe: {  	[tilespmem:s18], [sflag:$0x4] =	stream.strided.gather [hbm4b:s17+s8], $0x80, s9, s8, $0x38;
	[tilespmem:$0x1E500] =	vst v63  }
0xff: {  	s20 =	simm.s32 $0x180;
	s26 =	simm.s32 $0x200;
	s19 =	sadd.s32 $0x600, s4  }
0x100: {  	[tilespmem:s20], [sflag:$0x4] =	stream.strided.gather [hbm4b:s19+s8], $0x80, s9, s8, $0x38;
	[tilespmem:$0x1E500] =	vst v63  }
0x101: {  	s10 =	simm.s32 $0x380;
	s29 =	simm.s32 $0x280;
	s21 =	sadd.s32 $0x800, s4  }
0x102: {  	[tilespmem:s26], [sflag:$0x4] =	stream.strided.gather [hbm4b:s21+s8], $0x80, s9, s8, $0x38;
	[tilespmem:$0x1E500] =	vst v63  }
0x103: {  	s31 =	simm.s32 $0x300;
	s0 =	simm.s32 $0x1000;
	s28 =	sadd.s32 $0xA00, s4  }
0x104: {  	[tilespmem:s29], [sflag:$0x4] =	stream.strided.gather [hbm4b:s28+s8], $0x80, s9, s8, $0x38;
	[tilespmem:$0x1E500] =	vst v63  }
0x105: {  	s30 =	sadd.s32 $0xC00, s4;
	s7 =	sadd.s32 $0xE00, s4;
	s1 =	sadd.s32 $0x2000, s4  }
0x106: {  	[tilespmem:s31], [sflag:$0x4] =	stream.strided.gather [hbm4b:s30+s8], $0x80, s9, s8, $0x38;
	[tilespmem:$0x1E500] =	vst v63  }
.LBB2_6:
0x107: {  	[tilespmem:s10], [sflag:$0x4] =	stream.strided.gather [hbm4b:s7+s8], $0x80, s9, s8, $0x38;
	[tilespmem:$0x1E500] =	vst v63  }
0x108: {  	s4 =	sshra.s32 s0, $0x2;
	p0 =	sne.s32 s0, $0xF000;
	s0 =	sadd.s32 $0x1000, s0  }
0x109: {  	[tilespmem:s4], [sflag:$0x4] =	stream.strided.gather [hbm4b:s1+s8], $0x80, s9, s8, $0x38;
	[tilespmem:$0x1E500] =	vst v63  }
0x10a: {  	s5 =	sadd.s32 $0x200, s1;
	s7 =	sadd.s32 $0x80, s4  }
0x10b: {  	[tilespmem:s7], [sflag:$0x4] =	stream.strided.gather [hbm4b:s5+s8], $0x80, s9, s8, $0x38;
	[tilespmem:$0x1E500] =	vst v63  }
0x10c: {  	s5 =	sadd.s32 $0x400, s1;
	s7 =	sadd.s32 $0x100, s4  }
0x10d: {  	[tilespmem:s7], [sflag:$0x4] =	stream.strided.gather [hbm4b:s5+s8], $0x80, s9, s8, $0x38;
	[tilespmem:$0x1E500] =	vst v63  }
0x10e: {  	s5 =	sadd.s32 $0x600, s1;
	s7 =	sadd.s32 $0x180, s4  }
0x10f: {  	[tilespmem:s7], [sflag:$0x4] =	stream.strided.gather [hbm4b:s5+s8], $0x80, s9, s8, $0x38;
	[tilespmem:$0x1E500] =	vst v63  }
0x110: {  	s5 =	sadd.s32 $0x800, s1;
	s7 =	sadd.s32 $0x200, s4  }
0x111: {  	[tilespmem:s7], [sflag:$0x4] =	stream.strided.gather [hbm4b:s5+s8], $0x80, s9, s8, $0x38;
	[tilespmem:$0x1E500] =	vst v63  }
.Ltmp2:
0x112: {  	s5 =	sadd.s32 $0xA00, s1;
	s7 =	sadd.s32 $0x280, s4;
	(pc) =	sbr.rel @p0 .LBB2_6-.Ltmp2, $4  }
0x113: {  	[tilespmem:s7], [sflag:$0x4] =	stream.strided.gather [hbm4b:s5+s8], $0x80, s9, s8, $0x38;
	[tilespmem:$0x1E500] =	vst v63  }
0x114: {  	s5 =	sadd.s32 $0xC00, s1;
	s7 =	sadd.s32 $0x300, s4  }
0x115: {  	[tilespmem:s7], [sflag:$0x4] =	stream.strided.gather [hbm4b:s5+s8], $0x80, s9, s8, $0x38;
	[tilespmem:$0x1E500] =	vst v63  }
0x116: {  	s10 =	sadd.s32 $0x380, s4;
	s7 =	sadd.s32 $0xE00, s1;
	s1 =	sadd.s32 $0x2000, s1  }
0x117: {  	[tilespmem:s10], [sflag:$0x4] =	stream.strided.gather [hbm4b:s7+s8], $0x80, s9, s8, $0x38;
	[tilespmem:$0x1E500] =	vst v63  }
0x118: {  	s0 =	simm.s32 $0x0  }
0x119: {  	s1 =	simm.s32 $0x0;
	s21 =	simm.s32 $0x4;
	s13 =	simm.s32 $0x0  }
0x11a: {  	s0 =	sand.u32 $0x4, s0;
	s1 =	sand.u32 $0xFFFFFFC0, s1;
	_ =	swait.ge [sflag:s21], $0x4000  }
0x11b: {  	s4 =	sshll.u32 s0, $0x2;
	s5 =	sor.u32 $0x3, s0;
	s28 =	sor.u32 $0x1, s0  }
0x11c: {  	s16 =	sshll.u32 s0, $0x7;
	s4 =	sor.u32 s4, s1;
	s26 =	sshll.u32 s5, $0x2  }
0x11d: {  	s12 =	sshll.u32 s28, $0x2;
	s4 =	sor.u32 $0x20, s4;
	s7 =	sor.u32 s1, s26  }
0x11e: {  	s0 =	sor.u32 $0x2, s0;
	s17 =	sor.u32 s1, s12;
	v33 =	vmov s4;
	s7 =	sor.u32 $0x20, s7  }
0x11f: {  	s18 =	sand.u32 $0x3FFFFC00, s13;
	s19 =	sshll.u32 s0, $0x2;
	s14 =	sor.u32 $0x20, s17;
	v33 =	vshrl.u32 v33, $0x3;
	v34 =	vmov s7  }
0x120: {  	[sflag:s21] =	ssyncset.done $0x0;
	s0 =	sshll.u32 s0, $0x7;
	s7 =	sor.u32 s1, s19;
	v53 =	vmov s14;
	v33 =	vshll.u32 v33, v1;
	v35 =	vshrl.u32 v34, $0x3  }
0x121: {  	[sflag:s21] =	ssyncadd.s32 $0xFFFFC000;
	s15 =	sor.u32 s0, s18;
	s20 =	sor.u32 $0x20, s7;
	v34 =	vbroadcast v33, $0x0;
	v52 =	vshll.u32 v35, v1;
	v35 =	vshrl.u32 v53, $0x3  }
0x122: {  	s29 =	sor.u32 s16, s18;
	s21 =	sshll.u32 s5, $0x7;
	v38 =	vld [tilespmem:s15+$0x0];
	v39 =	vadd.s32 s20, v0;
	v33 =	vbroadcast v52, $0x0;
	v35 =	vshll.u32 v35, v1  }
0x123: {  	v36 =	vld [tilespmem:s29+$0x0];
	s26 =	sshll.u32 s28, $0x7;
	s1 =	sor.u32 s21, s18;
	v37 =	vadd.s32 v0, v34;
	v35 =	vbroadcast v35, $0x0  }
0x124: {  	s12 =	sor.u32 s26, s18;
	v40 =	vld [tilespmem:s1+$0x0];
	v41 =	vadd.s32 v9, v33  }
0x125: {  	v42 =	vld [tilespmem:s12+$0x0];
	v43 =	vadd.s32 v9, v35;
	_ =	sdelay $0x1  }
0x126: {  	[tilespmem:v39+s11+$0x0] =	vst.idx.msk $0xffff, v38  }
0x127: {  	v55 =	vadd.s32 s20, v2;
	v38 =	vld [tilespmem:s15+$0x10];
	[tilespmem:v37+s11+$0x0] =	vst.idx.msk $0xffff, v36  }
0x128: {  	v54 =	vadd.s32 v2, v34;
	v36 =	vld [tilespmem:s29+$0x10];
	[tilespmem:v41+s11+$0x0] =	vst.idx.msk $0xffff, v40  }
0x129: {  	v56 =	vadd.s32 v10, v33;
	v40 =	vld [tilespmem:s1+$0x10];
	[tilespmem:v43+s11+$0x0] =	vst.idx.msk $0xffff, v42  }
0x12a: {  	s14 =	simm.s32 $0x4;
	v57 =	vadd.s32 v10, v35;
	v42 =	vld [tilespmem:s12+$0x10]  }
0x12b: {  	s17 =	simm.s32 $0x200;
	s4 =	sand.u32 $0x4, s14  }
0x12c: {  	s19 =	simm.s32 $0x20;
	s28 =	sor.u32 $0x21, s7;
	s13 =	sor.u32 $0x3, s4;
	[tilespmem:v55+s11+$0x0] =	vst.idx.msk $0xffff, v38  }
0x12d: {  	s5 =	sand.u32 $0xFFFFFFC0, s19;
	v59 =	vadd.s32 s28, v0;
	s18 =	sshll.u32 s4, $0x2;
	s20 =	sshll.u32 s13, $0x2;
	v38 =	vld [tilespmem:s15+$0x20];
	[tilespmem:v54+s11+$0x0] =	vst.idx.msk $0xffff, v36  }
0x12e: {  	s16 =	sor.u32 $0x2, s4;
	s18 =	sor.u32 s18, s5;
	v58 =	vadd.s32 v3, v34;
	s10 =	sor.u32 s5, s20;
	v36 =	vld [tilespmem:s29+$0x20];
	[tilespmem:v56+s11+$0x0] =	vst.idx.msk $0xffff, v40  }
0x12f: {  	s21 =	sshll.u32 s16, $0x2;
	s26 =	sor.u32 $0x20, s18;
	v60 =	vadd.s32 v11, v33;
	s10 =	sor.u32 $0x20, s10;
	v40 =	vld [tilespmem:s1+$0x20];
	[tilespmem:v57+s11+$0x0] =	vst.idx.msk $0xffff, v42  }
0x130: {  	s17 =	sand.u32 $0x3FFFFC00, s17;
	s16 =	sshll.u32 s16, $0x7;
	v61 =	vadd.s32 v11, v35;
	v62 =	vmov s10;
	s10 =	sor.u32 s5, s21;
	v55 =	vmov s26;
	v42 =	vld [tilespmem:s12+$0x20]  }
0x131: {  	s30 =	sor.u32 s16, s17;
	s18 =	sor.u32 $0x20, s10;
	v37 =	vshrl.u32 v55, $0x3  }
0x132: {  	s19 =	sor.u32 $0x1, s4;
	v37 =	vshll.u32 v37, v1;
	v56 =	vld [tilespmem:s30+$0x0];
	v57 =	vadd.s32 s18, v0;
	[tilespmem:v59+s11+$0x0] =	vst.idx.msk $0xffff, v38  }
0x133: {  	v63 =	vadd.s32 s28, v2;
	s4 =	sshll.u32 s4, $0x7;
	s28 =	sshll.u32 s19, $0x2;
	v37 =	vbroadcast v37, $0x0;
	v38 =	vld [tilespmem:s15+$0x30];
	[tilespmem:v58+s11+$0x0] =	vst.idx.msk $0xffff, v36  }
0x134: {  	s31 =	sor.u32 s4, s17;
	s5 =	sor.u32 s5, s28;
	v54 =	vadd.s32 v4, v34;
	v36 =	vshrl.u32 v62, $0x3;
	v44 =	vld [tilespmem:s29+$0x30];
	[tilespmem:v60+s11+$0x0] =	vst.idx.msk $0xffff, v40  }
0x135: {  	v50 =	vld [tilespmem:s31+$0x0];
	s21 =	sor.u32 $0x20, s5;
	v36 =	vshll.u32 v36, v1;
	v60 =	vadd.s32 v0, v37;
	[tilespmem:v61+s11+$0x0] =	vst.idx.msk $0xffff, v42  }
0x136: {  	s20 =	sshll.u32 s13, $0x7;
	v51 =	vadd.s32 v12, v35;
	v49 =	vmov s21;
	v36 =	vbroadcast v36, $0x0;
	v46 =	vld [tilespmem:s12+$0x30]  }
0x137: {  	v45 =	vadd.s32 v12, v33;
	s0 =	sor.u32 s20, s17;
	v58 =	vshrl.u32 v49, $0x3;
	[tilespmem:v57+s11+$0x0] =	vst.idx.msk $0xffff, v56;
	v41 =	vld [tilespmem:s1+$0x30]  }
0x138: {  	v47 =	vld [tilespmem:s0+$0x0];
	v48 =	vadd.s32 v9, v36;
	[tilespmem:v63+s11+$0x0] =	vst.idx.msk $0xffff, v38;
	v38 =	vshll.u32 v58, v1  }
0x139: {  	s28 =	sshll.u32 s19, $0x7;
	s26 =	sor.u32 $0x22, s7;
	v57 =	vld [tilespmem:s30+$0x10];
	v58 =	vadd.s32 s18, v2;
	v38 =	vbroadcast v38, $0x0;
	[tilespmem:v54+s11+$0x0] =	vst.idx.msk $0xffff, v44  }
0x13a: {  	s13 =	sor.u32 s28, s17;
	v59 =	vadd.s32 s26, v0;
	v39 =	vld [tilespmem:s15+$0x40];
	[tilespmem:v60+s11+$0x0] =	vst.idx.msk $0xffff, v50  }
0x13b: {  	v62 =	vld [tilespmem:s13+$0x0];
	v56 =	vadd.s32 v9, v38;
	[tilespmem:v51+s11+$0x0] =	vst.idx.msk $0xffff, v46  }
0x13c: {  	[tilespmem:v45+s11+$0x0] =	vst.idx.msk $0xffff, v41;
	v51 =	vadd.s32 v13, v35;
	v46 =	vld [tilespmem:s12+$0x40]  }
0x13d: {  	v55 =	vadd.s32 v13, v33;
	v54 =	vld [tilespmem:s1+$0x40];
	[tilespmem:v48+s11+$0x0] =	vst.idx.msk $0xffff, v47  }
0x13e: {  	v63 =	vadd.s32 v5, v34;
	v61 =	vld [tilespmem:s29+$0x40];
	[tilespmem:v58+s11+$0x0] =	vst.idx.msk $0xffff, v57  }
0x13f: {  	v48 =	vld [tilespmem:s0+$0x10];
	[tilespmem:v59+s11+$0x0] =	vst.idx.msk $0xffff, v39  }
0x140: {  	v60 =	vadd.s32 s26, v2;
	v59 =	vld [tilespmem:s15+$0x50];
	[tilespmem:v56+s11+$0x0] =	vst.idx.msk $0xffff, v62  }
0x141: {  	v42 =	vld [tilespmem:s30+$0x20];
	v62 =	vadd.s32 v10, v36;
	[tilespmem:v51+s11+$0x0] =	vst.idx.msk $0xffff, v46  }
0x142: {  	[tilespmem:v55+s11+$0x0] =	vst.idx.msk $0xffff, v54;
	v55 =	vadd.s32 v14, v35;
	v46 =	vld [tilespmem:s12+$0x50]  }
0x143: {  	[tilespmem:v63+s11+$0x0] =	vst.idx.msk $0xffff, v61;
	v63 =	vld [tilespmem:s31+$0x10];
	v54 =	vadd.s32 v2, v37  }
0x144: {  	v61 =	vadd.s32 v6, v34;
	v49 =	vld [tilespmem:s29+$0x50]  }
0x145: {  	v56 =	vadd.s32 v14, v33;
	v53 =	vld [tilespmem:s1+$0x50];
	[tilespmem:v60+s11+$0x0] =	vst.idx.msk $0xffff, v59  }
0x146: {  	s18 =	sor.u32 $0x23, s7;
	v52 =	vadd.s32 v10, v38;
	v47 =	vld [tilespmem:s13+$0x10];
	[tilespmem:v62+s11+$0x0] =	vst.idx.msk $0xffff, v48  }
0x147: {  	v43 =	vld [tilespmem:s15+$0x60];
	[tilespmem:v55+s11+$0x0] =	vst.idx.msk $0xffff, v46;
	v46 =	vadd.s32 s18, v0  }
0x148: {  	v40 =	vadd.s32 v15, v36;
	v51 =	vadd.s32 v11, v36;
	[tilespmem:v54+s11+$0x0] =	vst.idx.msk $0xffff, v63;
	v50 =	vld [tilespmem:s0+$0x20]  }
0x149: {  	v41 =	vadd.s32 v7, v34;
	[tilespmem:v61+s11+$0x0] =	vst.idx.msk $0xffff, v49;
	v49 =	vadd.s32 v3, v37;
	v48 =	vld [tilespmem:s31+$0x20]  }
0x14a: {  	s17 =	sor.u32 $0x22, s10;
	s16 =	sor.u32 $0x23, s10;
	s7 =	sor.u32 $0x21, s10;
	v45 =	vadd.s32 v15, v35;
	v39 =	vadd.s32 v15, v33;
	[tilespmem:v56+s11+$0x0] =	vst.idx.msk $0xffff, v53;
	v44 =	vld [tilespmem:s12+$0x60]  }
.LBB2_8:
0x14b: {  	s14 =	sadd.s32 $0x4, s14;
	[tilespmem:v52+s11+$0x0] =	vst.idx.msk $0xffff, v47;
	v47 =	vld [tilespmem:s1+$0x60]  }
0x14c: {  	s4 =	sand.u32 $0x4, s14;
	s5 =	sshll.u32 s14, $0x3;
	p0 =	slt.u32 s14, $0x7C;
	v52 =	vld [tilespmem:s29+$0x60];
	[tilespmem:v46+s11+$0x0] =	vst.idx.msk $0xffff, v43  }
0x14d: {  	v43 =	vadd.s32 s7, v0;
	s10 =	sshll.u32 s4, $0x7;
	s19 =	sor.u32 $0x2, s4;
	s26 =	sor.u32 $0x3, s4;
	[tilespmem:v51+s11+$0x0] =	vst.idx.msk $0xffff, v50;
	v46 =	vld [tilespmem:s15+$0x70]  }
0x14e: {  	s5 =	sand.u32 $0xFFFFFFC0, s5;
	s15 =	sshll.u32 s4, $0x2;
	s20 =	sshll.u32 s26, $0x2;
	[tilespmem:v49+s11+$0x0] =	vst.idx.msk $0xffff, v48;
	v48 =	vld [tilespmem:s13+$0x20];
	v49 =	vadd.s32 s18, v2  }
0x14f: {  	s4 =	sor.u32 $0x1, s4;
	v51 =	vadd.s32 v11, v38;
	s18 =	sshll.u32 s14, $0x7;
	s20 =	sor.u32 s5, s20;
	v50 =	vld [tilespmem:s31+$0x30];
	[tilespmem:v45+s11+$0x0] =	vst.idx.msk $0xffff, v44  }
0x150: {  	v53 =	vadd.s32 v16, v35;
	s21 =	sshll.u32 s4, $0x7;
	s18 =	sand.u32 $0x3FFFFC00, s18;
	v44 =	vadd.s32 v8, v34;
	s20 =	sor.u32 $0x20, s20;
	v45 =	vld [tilespmem:s12+$0x70];
	[tilespmem:v39+s11+$0x0] =	vst.idx.msk $0xffff, v47;
	v39 =	vmov v40  }
0x151: {  	v35 =	vmovc v38;
	s4 =	sshll.u32 s4, $0x2;
	v34 =	vmovc v37;
	s12 =	sor.u32 s15, s5;
	s15 =	sor.u32 s10, s18;
	v47 =	vadd.s32 v16, v33;
	v33 =	vmov v36;
	v40 =	vmov s20;
	[tilespmem:v41+s11+$0x0] =	vst.idx.msk $0xffff, v52;
	v41 =	vld [tilespmem:s1+$0x70]  }
0x152: {  	s10 =	sshll.u32 s19, $0x2;
	s1 =	sor.u32 s5, s4;
	s4 =	sor.u32 s21, s18;
	v36 =	vshrl.u32 v40, $0x3;
	[tilespmem:v43+s11+$0x0] =	vst.idx.msk $0xffff, v42;
	v37 =	vld [tilespmem:s29+$0x70]  }
0x153: {  	s19 =	sshll.u32 s19, $0x7;
	s5 =	sor.u32 s5, s10;
	v52 =	vadd.s32 v12, v33;
	s1 =	sor.u32 $0x20, s1;
	v43 =	vadd.s32 s7, v2;
	v36 =	vshll.u32 v36, v1;
	v42 =	vld [tilespmem:s30+$0x30];
	[tilespmem:v49+s11+$0x0] =	vst.idx.msk $0xffff, v46  }
0x154: {  	s7 =	sor.u32 $0x20, s12;
	s10 =	sor.u32 $0x20, s5;
	v38 =	vmov s1;
	s1 =	sor.u32 s19, s18;
	v46 =	vadd.s32 v4, v34;
	v36 =	vbroadcast v36, $0x0;
	[tilespmem:v51+s11+$0x0] =	vst.idx.msk $0xffff, v48;
	v48 =	vld [tilespmem:s0+$0x30]  }
0x155: {  	s28 =	sor.u32 $0x22, s5;
	s12 =	sshll.u32 s26, $0x7;
	v40 =	vmov s7;
	s7 =	sor.u32 $0x21, s5;
	v38 =	vshrl.u32 v38, $0x3;
	v51 =	vadd.s32 s10, v0;
	v49 =	vld [tilespmem:s1+$0x0];
	[tilespmem:v53+s11+$0x0] =	vst.idx.msk $0xffff, v45  }
0x156: {  	s29 =	smov.u32 s31;
	s5 =	sor.u32 $0x23, s5;
	s19 =	sor.u32 s12, s18;
	v45 =	vshrl.u32 v40, $0x3;
	v38 =	vshll.u32 v38, v1;
	v40 =	vadd.s32 v15, v36;
	v53 =	vld [tilespmem:s13+$0x30];
	[tilespmem:v47+s11+$0x0] =	vst.idx.msk $0xffff, v41  }
0x157: {  	s31 =	smov.u32 s15;
	s12 =	smov.u32 s13;
	v41 =	vshll.u32 v45, v1;
	v38 =	vbroadcast v38, $0x0;
	v47 =	vadd.s32 v9, v36;
	s13 =	smov.u32 s4;
	v45 =	vld [tilespmem:s19+$0x0];
	[tilespmem:v44+s11+$0x0] =	vst.idx.msk $0xffff, v37  }
0x158: {  	s15 =	smov.u32 s30;
	s18 =	smov.u32 s16;
	s30 =	smov.u32 s1;
	v37 =	vbroadcast v41, $0x0;
	v41 =	vadd.s32 v12, v35;
	v44 =	vld [tilespmem:s31+$0x0];
	[tilespmem:v43+s11+$0x0] =	vst.idx.msk $0xffff, v42  }
0x159: {  	s16 =	smov.u32 s5;
	s1 =	smov.u32 s0;
	s0 =	smov.u32 s19;
	v43 =	vadd.s32 s17, v0;
	[tilespmem:v46+s11+$0x0] =	vst.idx.msk $0xffff, v50;
	v42 =	vld [tilespmem:s15+$0x40]  }
0x15a: {  	v46 =	vadd.s32 v0, v37;
	v50 =	vld [tilespmem:s29+$0x40];
	[tilespmem:v52+s11+$0x0] =	vst.idx.msk $0xffff, v48  }
0x15b: {  	v48 =	vld [tilespmem:s13+$0x0];
	[tilespmem:v51+s11+$0x0] =	vst.idx.msk $0xffff, v49;
	v49 =	vadd.s32 v5, v34  }
0x15c: {  	[tilespmem:v47+s11+$0x0] =	vst.idx.msk $0xffff, v45;
	v45 =	vld [tilespmem:s1+$0x40];
	v47 =	vadd.s32 v13, v33  }
0x15d: {  	v51 =	vadd.s32 v9, v38;
	v54 =	vld [tilespmem:s0+$0x10];
	[tilespmem:v41+s11+$0x0] =	vst.idx.msk $0xffff, v53  }
0x15e: {  	v52 =	vadd.s32 v13, v35;
	v41 =	vld [tilespmem:s12+$0x40];
	[tilespmem:v43+s11+$0x0] =	vst.idx.msk $0xffff, v42  }
0x15f: {  	v43 =	vadd.s32 s10, v2;
	[tilespmem:v46+s11+$0x0] =	vst.idx.msk $0xffff, v44;
	v42 =	vld [tilespmem:s30+$0x10]  }
0x160: {  	v46 =	vadd.s32 s17, v2;
	s17 =	smov.u32 s28;
	[tilespmem:v49+s11+$0x0] =	vst.idx.msk $0xffff, v50;
	v44 =	vld [tilespmem:s15+$0x50]  }
0x161: {  	v50 =	vadd.s32 v6, v34;
	v49 =	vld [tilespmem:s29+$0x50];
	[tilespmem:v47+s11+$0x0] =	vst.idx.msk $0xffff, v45  }
0x162: {  	v45 =	vadd.s32 v10, v36;
	[tilespmem:v51+s11+$0x0] =	vst.idx.msk $0xffff, v48;
	v53 =	vld [tilespmem:s1+$0x50]  }
0x163: {  	v51 =	vadd.s32 v2, v37;
	v48 =	vld [tilespmem:s31+$0x10];
	[tilespmem:v52+s11+$0x0] =	vst.idx.msk $0xffff, v41  }
0x164: {  	v55 =	vadd.s32 v14, v35;
	[tilespmem:v43+s11+$0x0] =	vst.idx.msk $0xffff, v42;
	v41 =	vld [tilespmem:s12+$0x50]  }
0x165: {  	v56 =	vadd.s32 v14, v33;
	v47 =	vld [tilespmem:s13+$0x10];
	[tilespmem:v46+s11+$0x0] =	vst.idx.msk $0xffff, v44  }
.Ltmp3:
0x166: {  	v52 =	vadd.s32 v10, v38;
	[tilespmem:v50+s11+$0x0] =	vst.idx.msk $0xffff, v49;
	v43 =	vld [tilespmem:s15+$0x60];
	(pc) =	sbr.rel @p0 .LBB2_8-.Ltmp3, $4  }
0x167: {  	v46 =	vadd.s32 s18, v0;
	v42 =	vld [tilespmem:s30+$0x20];
	[tilespmem:v45+s11+$0x0] =	vst.idx.msk $0xffff, v54  }
0x168: {  	[tilespmem:v51+s11+$0x0] =	vst.idx.msk $0xffff, v48;
	v50 =	vld [tilespmem:s0+$0x20];
	v51 =	vadd.s32 v11, v36  }
0x169: {  	v49 =	vadd.s32 v3, v37;
	v48 =	vld [tilespmem:s31+$0x20];
	[tilespmem:v55+s11+$0x0] =	vst.idx.msk $0xffff, v41  }
0x16a: {  	v45 =	vadd.s32 v15, v35;
	v41 =	vadd.s32 v7, v34;
	v44 =	vld [tilespmem:s12+$0x60];
	[tilespmem:v56+s11+$0x0] =	vst.idx.msk $0xffff, v53  }
0x16b: {  	_ =	sdelay $0x2  }
0x16c: {  	v61 =	vadd.s32 s7, v0  }
0x16d: {  	[tilespmem:v52+s11+$0x0] =	vst.idx.msk $0xffff, v47  }
0x16e: {  	v53 =	vadd.s32 v11, v38;
	v52 =	vld [tilespmem:s13+$0x20];
	_ =	sdelay $0x1  }
0x16f: {  	[tilespmem:v51+s11+$0x0] =	vst.idx.msk $0xffff, v50  }
0x170: {  	v57 =	vadd.s32 v12, v36;
	v58 =	vld [tilespmem:s0+$0x30];
	[tilespmem:v61+s11+$0x0] =	vst.idx.msk $0xffff, v42  }
0x171: {  	v62 =	vadd.s32 s7, v2;
	[tilespmem:v49+s11+$0x0] =	vst.idx.msk $0xffff, v48;
	v42 =	vld [tilespmem:s30+$0x30]  }
0x172: {  	v60 =	vadd.s32 v4, v37;
	v59 =	vld [tilespmem:s31+$0x30];
	[tilespmem:v53+s11+$0x0] =	vst.idx.msk $0xffff, v52  }
0x173: {  	v56 =	vadd.s32 v12, v38;
	v63 =	vld [tilespmem:s13+$0x30];
	_ =	sdelay $0x1  }
0x174: {  	[tilespmem:v57+s11+$0x0] =	vst.idx.msk $0xffff, v58  }
0x175: {  	[tilespmem:v62+s11+$0x0] =	vst.idx.msk $0xffff, v42  }
0x176: {  	v61 =	vadd.s32 s17, v0;
	[tilespmem:v60+s11+$0x0] =	vst.idx.msk $0xffff, v59;
	v42 =	vld [tilespmem:s30+$0x40]  }
0x177: {  	[tilespmem:v56+s11+$0x0] =	vst.idx.msk $0xffff, v63;
	v63 =	vld [tilespmem:s0+$0x40];
	v56 =	vadd.s32 v13, v36  }
0x178: {  	v58 =	vadd.s32 v5, v37;
	v57 =	vld [tilespmem:s31+$0x40]  }
0x179: {  	[tilespmem:v46+s11+$0x0] =	vst.idx.msk $0xffff, v43;
	v62 =	vadd.s32 v13, v38;
	v48 =	vld [tilespmem:s13+$0x40]  }
0x17a: {  	[tilespmem:v45+s11+$0x0] =	vst.idx.msk $0xffff, v44;
	v59 =	vld [tilespmem:s1+$0x60]  }
0x17b: {  	v60 =	vld [tilespmem:s29+$0x60];
	[tilespmem:v61+s11+$0x0] =	vst.idx.msk $0xffff, v42  }
0x17c: {  	v61 =	vadd.s32 s17, v2;
	[tilespmem:v56+s11+$0x0] =	vst.idx.msk $0xffff, v63;
	v42 =	vld [tilespmem:s30+$0x50]  }
0x17d: {  	v55 =	vadd.s32 v14, v36;
	[tilespmem:v58+s11+$0x0] =	vst.idx.msk $0xffff, v57;
	v54 =	vld [tilespmem:s0+$0x50]  }
0x17e: {  	v57 =	vadd.s32 v6, v37;
	v56 =	vld [tilespmem:s31+$0x50];
	[tilespmem:v62+s11+$0x0] =	vst.idx.msk $0xffff, v48  }
0x17f: {  	[tilespmem:v39+s11+$0x0] =	vst.idx.msk $0xffff, v59;
	v63 =	vadd.s32 v14, v38;
	v62 =	vld [tilespmem:s13+$0x50]  }
0x180: {  	v35 =	vadd.s32 v16, v35;
	[tilespmem:v41+s11+$0x0] =	vst.idx.msk $0xffff, v60;
	v60 =	vld [tilespmem:s12+$0x70]  }
0x181: {  	v59 =	vadd.s32 s18, v2;
	v58 =	vld [tilespmem:s15+$0x70];
	[tilespmem:v61+s11+$0x0] =	vst.idx.msk $0xffff, v42  }
0x182: {  	v61 =	vadd.s32 s16, v0;
	[tilespmem:v55+s11+$0x0] =	vst.idx.msk $0xffff, v54;
	v42 =	vld [tilespmem:s30+$0x60]  }
0x183: {  	[tilespmem:v57+s11+$0x0] =	vst.idx.msk $0xffff, v56;
	v52 =	vld [tilespmem:s0+$0x60]  }
0x184: {  	v53 =	vadd.s32 v7, v37;
	v54 =	vld [tilespmem:s31+$0x60];
	[tilespmem:v63+s11+$0x0] =	vst.idx.msk $0xffff, v62  }
0x185: {  	[tilespmem:v35+s11+$0x0] =	vst.idx.msk $0xffff, v60;
	v63 =	vadd.s32 v15, v38;
	v62 =	vld [tilespmem:s13+$0x60]  }
0x186: {  	v34 =	vadd.s32 v8, v34;
	[tilespmem:v59+s11+$0x0] =	vst.idx.msk $0xffff, v58;
	v56 =	vld [tilespmem:s29+$0x70]  }
0x187: {  	v33 =	vadd.s32 v16, v33;
	v55 =	vld [tilespmem:s1+$0x70];
	[tilespmem:v61+s11+$0x0] =	vst.idx.msk $0xffff, v42  }
0x188: {  	v58 =	vadd.s32 s16, v2;
	[tilespmem:v40+s11+$0x0] =	vst.idx.msk $0xffff, v52;
	v57 =	vld [tilespmem:s30+$0x70]  }
0x189: {  	[tilespmem:v53+s11+$0x0] =	vst.idx.msk $0xffff, v54;
	v61 =	vadd.s32 v16, v36;
	v39 =	vld [tilespmem:s0+$0x70]  }
0x18a: {  	[tilespmem:v63+s11+$0x0] =	vst.idx.msk $0xffff, v62;
	v62 =	vadd.s32 v8, v37;
	v63 =	vld [tilespmem:s31+$0x70]  }
0x18b: {  	v60 =	vadd.s32 v16, v38;
	[tilespmem:v34+s11+$0x0] =	vst.idx.msk $0xffff, v56;
	v59 =	vld [tilespmem:s13+$0x70]  }
0x18c: {  	[tilespmem:v33+s11+$0x0] =	vst.idx.msk $0xffff, v55  }
0x18d: {  	[tilespmem:v58+s11+$0x0] =	vst.idx.msk $0xffff, v57  }
0x18e: {  	[tilespmem:v61+s11+$0x0] =	vst.idx.msk $0xffff, v39  }
0x18f: {  	[tilespmem:v62+s11+$0x0] =	vst.idx.msk $0xffff, v63  }
0x190: {  	s19 =	simm.s32 $0xC300;
	s20 =	simm.s32 $0x4080;
	[tilespmem:v60+s11+$0x0] =	vst.idx.msk $0xffff, v59  }
0x191: {  	[tilespmem:s19], [sflag:$0x1] =	stream.indirect.gather [hbm4b:s3+s9], $0x20, s11, s9, $0xb8;
	[tilespmem:$0x1E500] =	vst v63  }
0x192: {  	s21 =	simm.s32 $0xD300;
	s26 =	simm.s32 $0x4100;
	s28 =	simm.s32 $0xE300  }
0x193: {  	[tilespmem:s21], [sflag:$0x1] =	stream.indirect.gather [hbm4b:s3+s9], $0x20, s20, s9, $0xb8;
	[tilespmem:$0x1E500] =	vst v63  }
0x194: {  	s18 =	simm.s32 $0x10300;
	s29 =	simm.s32 $0x0;
	s30 =	simm.s32 $0x4180  }
0x195: {  	[tilespmem:s28], [sflag:$0x1] =	stream.indirect.gather [hbm4b:s3+s9], $0x20, s26, s9, $0xb8;
	[tilespmem:$0x1E500] =	vst v63  }
0x196: {  	s31 =	simm.s32 $0xF300;
	s19 =	simm.s32 $0x11300;
	s20 =	simm.s32 $0x12300  }
0x197: {  	[tilespmem:s31], [sflag:$0x1] =	stream.indirect.gather [hbm4b:s3+s9], $0x20, s30, s9, $0xb8;
	[tilespmem:$0x1E500] =	vst v63  }
.LBB2_10:
0x198: {  	s0 =	smul.u32 $0x1060, s29;
	_ =	sdelay $0x1  }
0x199: {  	s0 =	sshra.s32 s0, $0x2  }
0x19a: {  	s1 =	sadd.s32 $0x4200, s0  }
0x19b: {  	[tilespmem:s18], [sflag:$0x2] =	stream.indirect.gather [hbm4b:s3+s9], $0x20, s1, s9, $0xb8;
	[tilespmem:$0x1E500] =	vst v63  }
0x19c: {  	s7 =	sadd.s32 $0x4280, s0  }
0x19d: {  	[tilespmem:s19], [sflag:$0x2] =	stream.indirect.gather [hbm4b:s3+s9], $0x20, s7, s9, $0xb8;
	[tilespmem:$0x1E500] =	vst v63  }
0x19e: {  	s10 =	sadd.s32 $0x4300, s0  }
0x19f: {  	[tilespmem:s20], [sflag:$0x2] =	stream.indirect.gather [hbm4b:s3+s9], $0x20, s10, s9, $0xb8;
	[tilespmem:$0x1E500] =	vst v63  }
0x1a0: {  	s12 =	sadd.s32 $0x4380, s0  }
0x1a1: {  	[tilespmem:s22], [sflag:$0x2] =	stream.indirect.gather [hbm4b:s3+s9], $0x20, s12, s9, $0xb8;
	[tilespmem:$0x1E500] =	vst v63  }
0x1a2: {  	_ =	swait.ge [sflag:s23], $0x1000  }
0x1a3: {  	[sflag:s23] =	ssyncset.done $0x0  }
0x1a4: {  	[sflag:s23] =	ssyncadd.s32 $0xFFFFF000  }
0x1a5: {  	s4 =	simm.s32 $0x0;
	s13 =	simm.s32 $0x4;
	_ =	swait.ge [sflag:s23], $0x1000  }
0x1a6: {  	s16 =	simm.s32 $0x6;
	s17 =	simm.s32 $0x3;
	[sflag:s23] =	ssyncset.done $0x0  }
0x1a7: {  	s28 =	simm.s32 $0x2;
	v34 =	vmov s4;
	s4 =	sand.u32 $0x78, s13;
	[sflag:s23] =	ssyncadd.s32 $0xFFFFF000  }
0x1a8: {  	s21 =	sand.u32 $0x78, s16;
	s26 =	sand.u32 $0x78, s17;
	v34 =	vmul.u32 $0x510, v34;
	_ =	swait.ge [sflag:s23], $0x1000  }
0x1a9: {  	s31 =	simm.s32 $0x5;
	s30 =	sand.u32 $0x78, s28;
	v37 =	vmov s4;
	v39 =	vmov s26;
	v40 =	vmov s21;
	[sflag:s23] =	ssyncset.done $0x0  }
0x1aa: {  	v53 =	vmov s30;
	s4 =	sand.u32 $0x78, s31;
	v52 =	vshrl.u32 v40, $0x3;
	v54 =	vshrl.u32 v37, $0x3;
	s1 =	simm.s32 $0x0;
	[sflag:s23] =	ssyncadd.s32 $0xFFFFF000  }
0x1ab: {  	v39 =	vshrl.u32 v39, $0x3;
	v43 =	vmov s4;
	v40 =	vshrl.u32 v53, $0x3;
	s5 =	sand.u32 $0x78, s1;
	_ =	swait.ge [sflag:s23], $0x1000  }
0x1ac: {  	p0 =	seq.s32 s29, $0x0;
	v34 =	vbroadcast v34, $0x0;
	v43 =	vshrl.u32 v43, $0x3;
	s7 =	simm.s32 $0x1;
	v33 =	vmov s5;
	[sflag:s23] =	ssyncset.done $0x0  }
0x1ad: {  	v56 =	vshll.u32 v40, v1;
	v39 =	vshll.u32 v39, v1;
	s5 =	simm.s32 @!p0 $0x3;
	s14 =	sand.u32 $0x78, s7;
	v33 =	vshrl.u32 v33, $0x3;
	[sflag:s23] =	ssyncadd.s32 $0xFFFFF000  }
0x1ae: {  	v43 =	vshll.u32 v43, v1;
	v33 =	vshll.u32 v33, v1;
	v36 =	vmov s14;
	_ =	swait.ge @!p0 [sflag:s5], $0x8000  }
0x1af: {  	v41 =	vadd.s32 v17, v34;
	v38 =	vbroadcast v33, $0x0;
	v36 =	vshrl.u32 v36, $0x3;
	[sflag:s5] =	ssyncset.done @!p0 $0x0  }
0x1b0: {  	v33 =	vadd.s32 v18, v34;
	v34 =	vshll.u32 v52, v1;
	v36 =	vshll.u32 v36, v1;
	s12 =	simm.s32 $0xC380;
	[sflag:s5] =	ssyncadd.s32 @!p0 $0xFFFF8000  }
0x1b1: {  	s10 =	simm.s32 $0x7;
	v49 =	vbroadcast v36, $0x0;
	v46 =	vadd.s32 v38, v33;
	v38 =	vadd.s32 v38, v41;
	v42 =	vld [tilespmem:s12+$0xFFFFFF80]  }
0x1b2: {  	v60 =	vbroadcast v43, $0x0;
	s15 =	sand.u32 $0x78, s10;
	v47 =	vbroadcast v34, $0x0;
	v36 =	vshll.u32 v54, v1  }
0x1b3: {  	v35 =	vmov s15;
	v36 =	vbroadcast v36, $0x0;
	v55 =	vadd.s32 v41, v49;
	v44 =	vld [tilespmem:s12+$0xFFFFFFA0]  }
0x1b4: {  	v35 =	vshrl.u32 v35, $0x3;
	v57 =	vadd.s32 v41, v47;
	v45 =	vor.u32 $0x1, v55;
	v34 =	vld [tilespmem:s12+$0xFFFFFFC0]  }
0x1b5: {  	v35 =	vshll.u32 v35, v1;
	v40 =	vor.u32 $0x6, v57;
	v58 =	vadd.s32 v41, v36;
	v59 =	vld [tilespmem:s12+$0x40]  }
0x1b6: {  	v52 =	vbroadcast v39, $0x0;
	v37 =	vbroadcast v35, $0x0;
	v51 =	vor.u32 $0x4, v58;
	v53 =	vld [tilespmem:s12+$0x0];
	[tilespmem:v38+s24+$0x0] =	vst.idx.msk $0xffff, v42  }
0x1b7: {  	v39 =	vadd.s32 v33, v60;
	v54 =	vbroadcast v56, $0x0;
	v48 =	vld [tilespmem:s12+$0xFFFFFF90]  }
0x1b8: {  	v63 =	vadd.s32 v41, v52;
	v61 =	vadd.s32 v33, v47;
	v62 =	vadd.s32 v41, v37;
	v43 =	vld [tilespmem:s12+$0xFFFFFFE0]  }
0x1b9: {  	v35 =	vor.u32 $0x6, v61;
	v50 =	vadd.s32 v33, v36;
	v47 =	vor.u32 $0x7, v62;
	[tilespmem:v45+s24+$0x0] =	vst.idx.msk $0xffff, v44;
	v45 =	vld [tilespmem:s12+$0x60]  }
0x1ba: {  	v38 =	vadd.s32 v41, v60;
	v41 =	vadd.s32 v41, v54;
	v44 =	vor.u32 $0x3, v63;
	[tilespmem:v40+s24+$0x0] =	vst.idx.msk $0xffff, v59;
	v36 =	vld [tilespmem:s12+$0xFFFFFFB0]  }
0x1bb: {  	[tilespmem:v51+s24+$0x0] =	vst.idx.msk $0xffff, v53;
	v42 =	vor.u32 $0x5, v38;
	v38 =	vor.u32 $0x4, v50;
	v50 =	vadd.s32 v33, v49;
	v40 =	vld [tilespmem:s12+$0x50]  }
0x1bc: {  	s7 =	simm.s32 $0xC480;
	v41 =	vor.u32 $0x2, v41;
	v49 =	vadd.s32 v33, v52;
	[tilespmem:v46+s24+$0x0] =	vst.idx.msk $0xffff, v48;
	v48 =	vadd.s32 v33, v54;
	v46 =	vld [tilespmem:s12+$0x20]  }
.LBB2_11:
0x1bd: {  	s4 =	sadd.s32 $0x9, s1  }
0x1be: {  	s5 =	sadd.s32 $0xF, s1;
	v50 =	vor.u32 $0x1, v50;
	v51 =	vld [tilespmem:s12+$0x10];
	v33 =	vadd.s32 v33, v37;
	s10 =	smov.u32 s1;
	s1 =	sadd.s32 $0x8, s1  }
0x1bf: {  	v37 =	vor.u32 $0x2, v48;
	v48 =	vor.u32 $0x3, v49;
	s13 =	sshrl.u32 s1, $0x7;
	s14 =	sand.u32 $0x78, s1;
	s15 =	sadd.s32 $0xC, s10;
	[tilespmem:v47+s24+$0x0] =	vst.idx.msk $0xffff, v45;
	v45 =	vor.u32 $0x7, v33  }
0x1c0: {  	v39 =	vor.u32 $0x5, v39;
	s4 =	sand.u32 $0x78, s4;
	s5 =	sand.u32 $0x78, s5;
	v33 =	vmov s14;
	v47 =	vmov s13;
	s13 =	sadd.s32 $0xE, s10;
	[tilespmem:v44+s24+$0x0] =	vst.idx.msk $0xffff, v43  }
0x1c1: {  	s14 =	sand.u32 $0x78, s15;
	s15 =	sadd.s32 $0xD, s10;
	v44 =	vmov s5;
	v33 =	vshrl.u32 v33, $0x3;
	v43 =	vmul.u32 $0x510, v47;
	s13 =	sand.u32 $0x78, s13;
	[tilespmem:v42+s24+$0x0] =	vst.idx.msk $0xffff, v46;
	v42 =	vld [tilespmem:s12+$0x70]  }
0x1c2: {  	s5 =	sadd.s32 $0xB, s10;
	v46 =	vmov s4;
	s4 =	sadd.s32 $0xA, s10;
	v47 =	vmov s14;
	s10 =	sand.u32 $0x78, s15;
	v33 =	vshll.u32 v33, v1;
	[tilespmem:v41+s24+$0x0] =	vst.idx.msk $0xffff, v34;
	v34 =	vld [tilespmem:s12+$0x30]  }
0x1c3: {  	p0 =	slt.u32 s1, $0x1F8;
	s5 =	sand.u32 $0x78, s5;
	v46 =	vshrl.u32 v46, $0x3;
	s4 =	sand.u32 $0x78, s4;
	v41 =	vbroadcast v43, $0x0;
	v43 =	vbroadcast v33, $0x0;
	[tilespmem:v50+s24+$0x0] =	vst.idx.msk $0xffff, v36;
	v36 =	vld [tilespmem:s12+$0xFFFFFFD0]  }
0x1c4: {  	v44 =	vshrl.u32 v44, $0x3;
	v49 =	vmov s5;
	v50 =	vmov s13;
	v52 =	vld [tilespmem:s12+$0xFFFFFFF0];
	[tilespmem:v35+s24+$0x0] =	vst.idx.msk $0xffff, v40;
	s12 =	smov.u32 s7  }
0x1c5: {  	v35 =	vshrl.u32 v50, $0x3;
	v40 =	vadd.s32 v17, v41;
	v33 =	vadd.s32 v18, v41;
	[tilespmem:v38+s24+$0x0] =	vst.idx.msk $0xffff, v51  }
0x1c6: {  	v44 =	vshll.u32 v44, v1;
	v38 =	vshll.u32 v46, v1;
	v41 =	vmov s4;
	[tilespmem:v45+s24+$0x0] =	vst.idx.msk $0xffff, v42  }
0x1c7: {  	v46 =	vadd.s32 v43, v33;
	v50 =	vbroadcast v38, $0x0;
	v38 =	vshrl.u32 v47, $0x3;
	[tilespmem:v39+s24+$0x0] =	vst.idx.msk $0xffff, v34  }
0x1c8: {  	v35 =	vshll.u32 v35, v1;
	v42 =	vadd.s32 v43, v40;
	v34 =	vshll.u32 v38, v1;
	v39 =	vld [tilespmem:s7+$0xFFFFFF80]  }
0x1c9: {  	v43 =	vshrl.u32 v49, $0x3;
	v45 =	vmov s10;
	v38 =	vadd.s32 v40, v50;
	[tilespmem:v48+s24+$0x0] =	vst.idx.msk $0xffff, v52  }
0x1ca: {  	v35 =	vbroadcast v35, $0x0;
	v45 =	vshrl.u32 v45, $0x3;
	v38 =	vor.u32 $0x1, v38;
	v47 =	vld [tilespmem:s7+$0xFFFFFFA0];
	[tilespmem:v37+s24+$0x0] =	vst.idx.msk $0xffff, v36  }
0x1cb: {  	v36 =	vshrl.u32 v41, $0x3;
	v41 =	vbroadcast v34, $0x0;
	v37 =	vbroadcast v44, $0x0  }
0x1cc: {  	v44 =	vshll.u32 v45, v1;
	v45 =	vadd.s32 v40, v35;
	v36 =	vshll.u32 v36, v1;
	v34 =	vld [tilespmem:s7+$0xFFFFFFC0]  }
0x1cd: {  	v49 =	vor.u32 $0x6, v45;
	[tilespmem:v42+s24+$0x0] =	vst.idx.msk $0xffff, v39;
	v39 =	vshll.u32 v43, v1;
	v42 =	vadd.s32 v40, v41;
	v48 =	vld [tilespmem:s7+$0x40]  }
0x1ce: {  	v53 =	vadd.s32 v33, v41;
	v41 =	vbroadcast v44, $0x0;
	v51 =	vld [tilespmem:s7+$0xFFFFFF90];
	v52 =	vor.u32 $0x4, v42  }
0x1cf: {  	v35 =	vadd.s32 v33, v35;
	v54 =	vbroadcast v39, $0x0;
	[tilespmem:v38+s24+$0x0] =	vst.idx.msk $0xffff, v47;
	v38 =	vbroadcast v36, $0x0;
	v55 =	vld [tilespmem:s7+$0x0]  }
.Ltmp4:
0x1d0: {  	v35 =	vor.u32 $0x6, v35;
	v42 =	vadd.s32 v40, v37;
	v39 =	vadd.s32 v33, v41;
	v36 =	vld [tilespmem:s7+$0xFFFFFFB0];
	(pc) =	sbr.rel @p0 .LBB2_11-.Ltmp4, $4  }
0x1d1: {  	v41 =	vadd.s32 v40, v41;
	v47 =	vor.u32 $0x7, v42;
	v44 =	vadd.s32 v40, v54;
	v45 =	vld [tilespmem:s7+$0x60]  }
0x1d2: {  	v42 =	vor.u32 $0x5, v41;
	v40 =	vadd.s32 v40, v38;
	v44 =	vor.u32 $0x3, v44;
	v43 =	vld [tilespmem:s7+$0xFFFFFFE0];
	[tilespmem:v49+s24+$0x0] =	vst.idx.msk $0xffff, v48  }
0x1d3: {  	v41 =	vor.u32 $0x2, v40;
	v48 =	vadd.s32 v33, v38;
	v38 =	vor.u32 $0x4, v53;
	[tilespmem:v46+s24+$0x0] =	vst.idx.msk $0xffff, v51;
	v46 =	vld [tilespmem:s7+$0x20]  }
0x1d4: {  	v50 =	vadd.s32 v33, v50;
	v49 =	vadd.s32 v33, v54;
	s7 =	sadd.s32 $0x100, s7;
	[tilespmem:v52+s24+$0x0] =	vst.idx.msk $0xffff, v55;
	v40 =	vld [tilespmem:s12+$0x50]  }
0x1d5: {  	_ =	sdelay $0x3  }
0x1d6: {  	v50 =	vor.u32 $0x1, v50;
	[tilespmem:v41+s24+$0x0] =	vst.idx.msk $0xffff, v34  }
0x1d7: {  	v57 =	vld [tilespmem:s12+$0x10];
	[tilespmem:v47+s24+$0x0] =	vst.idx.msk $0xffff, v45  }
0x1d8: {  	v33 =	vadd.s32 v33, v37;
	v62 =	vor.u32 $0x2, v48;
	v63 =	vld [tilespmem:s12+$0xFFFFFFD0];
	[tilespmem:v44+s24+$0x0] =	vst.idx.msk $0xffff, v43  }
0x1d9: {  	v33 =	vor.u32 $0x7, v33;
	v58 =	vld [tilespmem:s12+$0x70];
	[tilespmem:v42+s24+$0x0] =	vst.idx.msk $0xffff, v46  }
0x1da: {  	v60 =	vor.u32 $0x3, v49;
	v61 =	vld [tilespmem:s12+$0xFFFFFFF0];
	[tilespmem:v35+s24+$0x0] =	vst.idx.msk $0xffff, v40  }
0x1db: {  	v39 =	vor.u32 $0x5, v39;
	v59 =	vld [tilespmem:s12+$0x30];
	[tilespmem:v50+s24+$0x0] =	vst.idx.msk $0xffff, v36  }
0x1dc: {  	[tilespmem:v38+s24+$0x0] =	vst.idx.msk $0xffff, v57  }
0x1dd: {  	[tilespmem:v62+s24+$0x0] =	vst.idx.msk $0xffff, v63  }
0x1de: {  	[tilespmem:v33+s24+$0x0] =	vst.idx.msk $0xffff, v58  }
0x1df: {  	p0 =	seq.s32 s29, $0x1F;
	s7 =	simm.s32 $0x0;
	s10 =	simm.s32 $0x206;
	[tilespmem:v60+s24+$0x0] =	vst.idx.msk $0xffff, v61  }
0x1e0: {  	s1 =	sadd.s32 @!p0 $0x4418, s0;
	s4 =	simm.s32 @!p0 $0x80;
	s5 =	simm.s32 @!p0 $0xC300;
	[tilespmem:v39+s24+$0x0] =	vst.idx.msk $0xffff, v59  }
0x1e1: {  	[tilespmem:s5], [sflag:$0x1] =	stream.indirect.gather @!p0 [hbm4b:s3+s4], $0x20, s1, s4, $0xb8;
	[tilespmem:$0x1E500] =	vst v63  }
0x1e2: {  	s31 =	simm.s32 $0x4;
	s1 =	sadd.s32 @!p0 $0x4498, s0;
	s5 =	simm.s32 @!p0 $0xD300  }
0x1e3: {  	[tilespmem:s5], [sflag:$0x1] =	stream.indirect.gather @!p0 [hbm4b:s3+s4], $0x20, s1, s4, $0xb8;
	[tilespmem:$0x1E500] =	vst v63  }
0x1e4: {  	s13 =	simm.s32 $0x205;
	s1 =	sadd.s32 @!p0 $0x4518, s0;
	s5 =	simm.s32 @!p0 $0xE300  }
0x1e5: {  	[tilespmem:s5], [sflag:$0x1] =	stream.indirect.gather @!p0 [hbm4b:s3+s4], $0x20, s1, s4, $0xb8;
	[tilespmem:$0x1E500] =	vst v63  }
0x1e6: {  	s14 =	simm.s32 $0x4;
	s0 =	sadd.s32 @!p0 $0x4598, s0;
	s1 =	simm.s32 @!p0 $0xF300  }
0x1e7: {  	[tilespmem:s1], [sflag:$0x1] =	stream.indirect.gather @!p0 [hbm4b:s3+s4], $0x20, s0, s4, $0xb8;
	[tilespmem:$0x1E500] =	vst v63  }
0x1e8: {  	s26 =	sor.u32 $0x4, s7;
	v48 =	vmov s31;
	s15 =	sand.u32 $0x7D, s13;
	v41 =	vmov s14;
	_ =	swait.ge [sflag:s25], $0x1000  }
0x1e9: {  	s28 =	simm.s32 $0x4;
	v45 =	vmov s26;
	v51 =	vmov s15;
	v37 =	vmul.u32 $0x510, v48;
	s12 =	sand.u32 $0x7E, s10;
	[sflag:s25] =	ssyncset.done $0x0  }
0x1ea: {  	v41 =	vmul.u32 $0x510, v41;
	v49 =	vmov s12;
	v50 =	vmov s28;
	[sflag:s25] =	ssyncadd.s32 $0xFFFFF000  }
0x1eb: {  	s21 =	simm.s32 $0x202;
	s26 =	simm.s32 $0x4;
	v34 =	vmul.u32 $0x510, v45;
	v40 =	vmul.u32 $0x510, v50;
	v39 =	vshrl.u32 v49, $0x3;
	_ =	swait.ge [sflag:s25], $0x1000  }
0x1ec: {  	s31 =	simm.s32 $0x4;
	v42 =	vshrl.u32 v51, $0x3;
	v54 =	vmov s26;
	v39 =	vshll.u32 v39, v1;
	s0 =	simm.s32 $0x0;
	[sflag:s25] =	ssyncset.done $0x0  }
0x1ed: {  	v51 =	vmov s31;
	v48 =	vshll.u32 v42, v1;
	s28 =	simm.s32 $0x4;
	v59 =	vadd.s32 v40, v39;
	s17 =	sand.u32 $0x78, s0;
	[sflag:s25] =	ssyncadd.s32 $0xFFFFF000  }
0x1ee: {  	v60 =	vmov s28;
	v39 =	vbroadcast v59, $0x0;
	s5 =	sand.u32 $0x7A, s21;
	v44 =	vmov s17;
	_ =	swait.ge [sflag:s25], $0x1000  }
0x1ef: {  	s16 =	simm.s32 $0x201;
	s30 =	simm.s32 $0x207;
	v63 =	vmul.u32 $0x510, v60;
	v46 =	vmov s5;
	v33 =	vshrl.u32 v44, $0x3;
	[sflag:s25] =	ssyncset.done $0x0  }
0x1f0: {  	v57 =	vadd.s32 v29, v39;
	s1 =	sand.u32 $0x79, s16;
	s4 =	sand.u32 $0x7F, s30;
	v35 =	vshrl.u32 v46, $0x3;
	v33 =	vshll.u32 v33, v1;
	[sflag:s25] =	ssyncadd.s32 $0xFFFFF000  }
0x1f1: {  	s16 =	simm.s32 $0x4;
	s30 =	simm.s32 $0x203;
	v47 =	vmov s1;
	v38 =	vmov s4;
	v33 =	vadd.s32 v34, v33;
	_ =	swait.ge [sflag:s25], $0x1000  }
0x1f2: {  	v52 =	vmov s16;
	s4 =	sand.u32 $0x7B, s30;
	v35 =	vshll.u32 v35, v1;
	v44 =	vbroadcast v33, $0x0;
	[sflag:s25] =	ssyncset.done $0x0  }
0x1f3: {  	s1 =	simm.s32 $0x10380;
	v36 =	vshrl.u32 v47, $0x3;
	v55 =	vmov s4;
	v58 =	vmul.u32 $0x510, v52;
	[sflag:s25] =	ssyncadd.s32 $0xFFFFF000  }
0x1f4: {  	s17 =	simm.s32 $0x204;
	v38 =	vshrl.u32 v38, $0x3;
	v52 =	vmul.u32 $0x510, v54;
	v62 =	vadd.s32 v17, v44;
	v61 =	vld [tilespmem:s1+$0xFFFFFF80]  }
0x1f5: {  	s21 =	sand.u32 $0x7C, s17;
	v36 =	vshll.u32 v36, v1;
	v38 =	vshll.u32 v38, v1;
	v33 =	vshrl.u32 v55, $0x3;
	v56 =	vld [tilespmem:s1+$0x40]  }
0x1f6: {  	v53 =	vmov s21;
	v35 =	vadd.s32 v58, v35;
	v33 =	vshll.u32 v33, v1  }
0x1f7: {  	v59 =	vshrl.u32 v53, $0x3;
	v42 =	vbroadcast v35, $0x0;
	v60 =	vadd.s32 v37, v33;
	v33 =	vld [tilespmem:s1+$0xFFFFFFE0]  }
0x1f8: {  	v49 =	vadd.s32 v41, v36;
	v43 =	vshll.u32 v59, v1;
	v37 =	vbroadcast v60, $0x0;
	v45 =	vld [tilespmem:s1+$0xFFFFFFC0]  }
0x1f9: {  	v46 =	vadd.s32 v21, v42;
	v36 =	vld [tilespmem:s1+$0xFFFFFFA0];
	[tilespmem:v62+s24+$0x0] =	vst.idx.msk $0xffff, v61;
	v61 =	vmul.u32 $0x510, v51;
	v62 =	vadd.s32 v63, v38  }
0x1fa: {  	v35 =	vadd.s32 v18, v44;
	v44 =	vld [tilespmem:s1+$0x60];
	[tilespmem:v57+s24+$0x0] =	vst.idx.msk $0xffff, v56;
	v38 =	vadd.s32 v23, v37;
	v47 =	vbroadcast v62, $0x0  }
0x1fb: {  	v63 =	vadd.s32 v52, v43;
	v43 =	vadd.s32 v30, v39;
	v34 =	vld [tilespmem:s1+$0xFFFFFF90];
	v48 =	vadd.s32 v61, v48  }
0x1fc: {  	s7 =	simm.s32 $0x10480;
	v40 =	vld [tilespmem:s1+$0x50];
	v39 =	vbroadcast v63, $0x0;
	v41 =	vadd.s32 v31, v47;
	v48 =	vbroadcast v48, $0x0  }
.LBB2_13:
0x1fd: {  	s4 =	sadd.s32 $0x209, s0  }
0x1fe: {  	s5 =	sadd.s32 $0x20A, s0;
	v50 =	vld [tilespmem:s7+$0xFFFFFFE0];
	v49 =	vbroadcast v49, $0x0;
	v42 =	vadd.s32 v22, v42;
	v47 =	vadd.s32 v32, v47;
	s12 =	smov.u32 s0;
	s0 =	sadd.s32 $0x8, s0  }
0x1ff: {  	s10 =	sshrl.u32 s0, $0x7;
	s13 =	sand.u32 $0x78, s0;
	s14 =	sadd.s32 $0x20E, s12;
	v51 =	vadd.s32 v25, v39;
	v52 =	vld [tilespmem:s1+$0x20];
	v53 =	vadd.s32 v27, v48;
	v48 =	vadd.s32 v28, v48  }
0x200: {  	v37 =	vadd.s32 v24, v37;
	s10 =	sor.u32 $0x4, s10;
	v54 =	vmov s13;
	s13 =	sand.u32 $0x79, s4;
	s15 =	sshrl.u32 s14, $0x7;
	v55 =	vadd.s32 v20, v49;
	[tilespmem:v46+s24+$0x0] =	vst.idx.msk $0xffff, v45;
	v45 =	vld [tilespmem:s1+$0x0]  }
0x201: {  	s16 =	sadd.s32 $0x20B, s12;
	s17 =	sadd.s32 $0x20F, s12;
	v49 =	vadd.s32 v19, v49;
	v46 =	vmov s10;
	v54 =	vshrl.u32 v54, $0x3;
	s10 =	sand.u32 $0x7A, s5;
	v56 =	vld [tilespmem:s1+$0xFFFFFFD0];
	[tilespmem:v43+s24+$0x0] =	vst.idx.msk $0xffff, v40  }
0x202: {  	v43 =	vmov s13;
	s13 =	sand.u32 $0x7E, s14;
	s14 =	sand.u32 $0x7F, s17;
	v40 =	vshll.u32 v54, v1;
	v54 =	vmov s10;
	s10 =	sshrl.u32 s16, $0x7;
	[tilespmem:v41+s24+$0x0] =	vst.idx.msk $0xffff, v44  }
0x203: {  	s4 =	sshrl.u32 s4, $0x7;
	s16 =	sand.u32 $0x7B, s16;
	v41 =	vshrl.u32 v54, $0x3;
	v44 =	vmov s10;
	s10 =	sadd.s32 $0x20D, s12;
	v54 =	vmov s14;
	[tilespmem:v38+s24+$0x0] =	vst.idx.msk $0xffff, v33;
	v38 =	vld [tilespmem:s1+$0x70];
	v33 =	vmovc v50  }
0x204: {  	v39 =	vadd.s32 v26, v39;
	s5 =	sshrl.u32 s5, $0x7;
	v57 =	vmov s15;
	v50 =	vmov s13;
	s13 =	sshrl.u32 s17, $0x7;
	s14 =	sand.u32 $0x7D, s10;
	v58 =	vld [tilespmem:s1+$0xFFFFFFF0];
	[tilespmem:v53+s24+$0x0] =	vst.idx.msk $0xffff, v52  }
0x205: {  	p0 =	slt.u32 s0, $0x1F8;
	v46 =	vmul.u32 $0x510, v46;
	v52 =	vmov s4;
	s4 =	sadd.s32 $0x20C, s12;
	v53 =	vmov s14;
	[tilespmem:v51+s24+$0x0] =	vst.idx.msk $0xffff, v45;
	v45 =	vld [tilespmem:s1+$0x30]  }
0x206: {  	v43 =	vshrl.u32 v43, $0x3;
	v57 =	vmul.u32 $0x510, v57;
	v51 =	vmov s5;
	s5 =	sand.u32 $0x7C, s4;
	[tilespmem:v49+s24+$0x0] =	vst.idx.msk $0xffff, v36;
	v36 =	vld [tilespmem:s1+$0x10]  }
0x207: {  	v43 =	vshll.u32 v43, v1;
	v50 =	vshrl.u32 v50, $0x3;
	s4 =	sshrl.u32 s4, $0x7;
	v49 =	vshrl.u32 v53, $0x3;
	v53 =	vld [tilespmem:s1+$0xFFFFFFB0];
	[tilespmem:v42+s24+$0x0] =	vst.idx.msk $0xffff, v56;
	s1 =	smov.u32 s7  }
0x208: {  	v40 =	vadd.s32 v46, v40;
	v46 =	vshll.u32 v50, v1;
	v42 =	vmov s5;
	[tilespmem:v35+s24+$0x0] =	vst.idx.msk $0xffff, v34  }
0x209: {  	v35 =	vbroadcast v40, $0x0;
	v34 =	vmov s4;
	v40 =	vadd.s32 v57, v46;
	[tilespmem:v47+s24+$0x0] =	vst.idx.msk $0xffff, v38  }
0x20a: {  	v38 =	vmul.u32 $0x510, v44;
	v44 =	vbroadcast v40, $0x0;
	v40 =	vmov s13;
	[tilespmem:v48+s24+$0x0] =	vst.idx.msk $0xffff, v45  }
0x20b: {  	v41 =	vshll.u32 v41, v1;
	v46 =	vadd.s32 v17, v35;
	v40 =	vmul.u32 $0x510, v40;
	v45 =	vld [tilespmem:s7+$0xFFFFFF80];
	[tilespmem:v39+s24+$0x0] =	vst.idx.msk $0xffff, v36  }
0x20c: {  	v36 =	vmov s16;
	v39 =	vshll.u32 v49, v1;
	v48 =	vadd.s32 v29, v44;
	v47 =	vld [tilespmem:s7+$0x40];
	[tilespmem:v37+s24+$0x0] =	vst.idx.msk $0xffff, v58  }
0x20d: {  	v49 =	vshrl.u32 v54, $0x3;
	v37 =	vmul.u32 $0x510, v51;
	v36 =	vshrl.u32 v36, $0x3;
	[tilespmem:v55+s24+$0x0] =	vst.idx.msk $0xffff, v53  }
0x20e: {  	v50 =	vshrl.u32 v42, $0x3;
	s4 =	sshrl.u32 s10, $0x7;
	v49 =	vshll.u32 v49, v1;
	v36 =	vshll.u32 v36, v1  }
0x20f: {  	v51 =	vmul.u32 $0x510, v52;
	v36 =	vadd.s32 v38, v36;
	v38 =	vmov s4  }
0x210: {  	v41 =	vadd.s32 v37, v41;
	v37 =	vbroadcast v36, $0x0;
	v36 =	vmul.u32 $0x510, v34;
	[tilespmem:v46+s24+$0x0] =	vst.idx.msk $0xffff, v45  }
.Ltmp5:
0x211: {  	v42 =	vbroadcast v41, $0x0;
	v41 =	vmul.u32 $0x510, v38;
	v45 =	vadd.s32 v40, v49;
	v34 =	vld [tilespmem:s7+$0xFFFFFF90];
	[tilespmem:v48+s24+$0x0] =	vst.idx.msk $0xffff, v47;
	(pc) =	sbr.rel @p0 .LBB2_13-.Ltmp5, $4  }
0x212: {  	v38 =	vadd.s32 v23, v37;
	v48 =	vshll.u32 v50, v1;
	v47 =	vbroadcast v45, $0x0;
	v40 =	vld [tilespmem:s7+$0x50]  }
0x213: {  	v49 =	vadd.s32 v51, v43;
	v46 =	vadd.s32 v21, v42;
	v48 =	vadd.s32 v36, v48;
	v45 =	vld [tilespmem:s7+$0xFFFFFFC0]  }
0x214: {  	v43 =	vadd.s32 v30, v44;
	v50 =	vadd.s32 v41, v39;
	v41 =	vadd.s32 v31, v47;
	v36 =	vld [tilespmem:s7+$0xFFFFFFA0]  }
0x215: {  	v35 =	vadd.s32 v18, v35;
	v39 =	vbroadcast v48, $0x0;
	v48 =	vbroadcast v50, $0x0;
	s7 =	sadd.s32 $0x100, s7;
	v44 =	vld [tilespmem:s1+$0x60]  }
0x216: {  	_ =	sdelay $0x3  }
0x217: {  	v49 =	vbroadcast v49, $0x0;
	v50 =	vld [tilespmem:s1+$0x20];
	[tilespmem:v38+s24+$0x0] =	vst.idx.msk $0xffff, v33;
	v51 =	vadd.s32 v27, v48  }
0x218: {  	v62 =	vld [tilespmem:s1+$0x0];
	[tilespmem:v35+s24+$0x0] =	vst.idx.msk $0xffff, v34;
	v52 =	vadd.s32 v25, v39  }
0x219: {  	[tilespmem:v43+s24+$0x0] =	vst.idx.msk $0xffff, v40;
	v63 =	vadd.s32 v19, v49  }
0x21a: {  	v37 =	vadd.s32 v24, v37;
	v61 =	vld [tilespmem:s1+$0xFFFFFFF0];
	[tilespmem:v46+s24+$0x0] =	vst.idx.msk $0xffff, v45  }
0x21b: {  	v53 =	vadd.s32 v22, v42;
	v54 =	vld [tilespmem:s1+$0xFFFFFFD0];
	[tilespmem:v41+s24+$0x0] =	vst.idx.msk $0xffff, v44  }
0x21c: {  	v55 =	vadd.s32 v32, v47;
	v56 =	vld [tilespmem:s1+$0x70];
	[tilespmem:v51+s24+$0x0] =	vst.idx.msk $0xffff, v50  }
0x21d: {  	v57 =	vadd.s32 v28, v48;
	[tilespmem:v52+s24+$0x0] =	vst.idx.msk $0xffff, v62;
	v58 =	vld [tilespmem:s1+$0x30]  }
0x21e: {  	v59 =	vadd.s32 v26, v39;
	[tilespmem:v63+s24+$0x0] =	vst.idx.msk $0xffff, v36;
	v60 =	vld [tilespmem:s1+$0x10]  }
0x21f: {  	v62 =	vadd.s32 v20, v49;
	[tilespmem:v37+s24+$0x0] =	vst.idx.msk $0xffff, v61;
	v63 =	vld [tilespmem:s1+$0xFFFFFFB0]  }
0x220: {  	[tilespmem:v53+s24+$0x0] =	vst.idx.msk $0xffff, v54  }
0x221: {  	[tilespmem:v55+s24+$0x0] =	vst.idx.msk $0xffff, v56  }
0x222: {  	[tilespmem:v57+s24+$0x0] =	vst.idx.msk $0xffff, v58  }
0x223: {  	s0 =	sshll.u32 s29, $0xC;
	[tilespmem:v59+s24+$0x0] =	vst.idx.msk $0xffff, v60  }
0x224: {  	s10 =	simm.s32 $0x14300;
	s5 =	sadd.s32 s0, s6;
	[tilespmem:v62+s24+$0x0] =	vst.idx.msk $0xffff, v63  }
0x225: {  	[hbm4b:s5+s2] =	stream.linear.scatter [tilespmem:s10], [sflag:$0x3], $0x80, $0x38;
	[tilespmem:$0x1E500] =	vst v63  }
0x226: {  	s12 =	simm.s32 $0x14390;
	s4 =	sadd.s32 $0x10, s5  }
0x227: {  	[hbm4b:s4+s2] =	stream.linear.scatter [tilespmem:s12], [sflag:$0x3], $0x80, $0x38;
	[tilespmem:$0x1E500] =	vst v63  }
0x228: {  	s13 =	simm.s32 $0x14420;
	s15 =	simm.s32 $0x144B0;
	s14 =	sadd.s32 $0x20, s5  }
0x229: {  	[hbm4b:s14+s2] =	stream.linear.scatter [tilespmem:s13], [sflag:$0x3], $0x80, $0x38;
	[tilespmem:$0x1E500] =	vst v63  }
0x22a: {  	s17 =	simm.s32 $0x14540;
	s26 =	simm.s32 $0x145D0;
	s16 =	sadd.s32 $0x30, s5  }
0x22b: {  	[hbm4b:s16+s2] =	stream.linear.scatter [tilespmem:s15], [sflag:$0x3], $0x80, $0x38;
	[tilespmem:$0x1E500] =	vst v63  }
0x22c: {  	s30 =	simm.s32 $0x14660;
	s7 =	simm.s32 $0x2880;
	s21 =	sadd.s32 $0x40, s5  }
0x22d: {  	[hbm4b:s21+s2] =	stream.linear.scatter [tilespmem:s17], [sflag:$0x3], $0x80, $0x38;
	[tilespmem:$0x1E500] =	vst v63  }
0x22e: {  	s0 =	simm.s32 $0x510;
	s28 =	sadd.s32 $0x50, s5;
	s31 =	sadd.s32 $0x60, s5  }
0x22f: {  	[hbm4b:s28+s2] =	stream.linear.scatter [tilespmem:s26], [sflag:$0x3], $0x80, $0x38;
	[tilespmem:$0x1E500] =	vst v63  }
0x230: {  	s1 =	sadd.s32 $0x80, s5;
	s10 =	simm.s32 $0x146F0;
	s12 =	sadd.s32 $0x70, s5  }
0x231: {  	[hbm4b:s31+s2] =	stream.linear.scatter [tilespmem:s30], [sflag:$0x3], $0x80, $0x38;
	[tilespmem:$0x1E500] =	vst v63  }
.LBB2_15:
0x232: {  	[hbm4b:s12+s2] =	stream.linear.scatter [tilespmem:s10], [sflag:$0x3], $0x80, $0x38;
	[tilespmem:$0x1E500] =	vst v63  }
0x233: {  	s4 =	smov.u32 s0;
	s0 =	smov.u32 s7  }
0x234: {  	s5 =	sadd.s32 $0x1440, s7;
	s0 =	sshra.s32 s0, $0x2;
	s10 =	sadd.s32 $0x14300, s4  }
0x235: {  	[hbm4b:s1+s2] =	stream.linear.scatter [tilespmem:s10], [sflag:$0x3], $0x80, $0x38;
	[tilespmem:$0x1E500] =	vst v63  }
0x236: {  	p0 =	sne.s32 s7, $0x273C0;
	s7 =	sadd.s32 $0x14390, s4;
	s10 =	sadd.s32 $0x10, s1  }
0x237: {  	[hbm4b:s10+s2] =	stream.linear.scatter [tilespmem:s7], [sflag:$0x3], $0x80, $0x38;
	[tilespmem:$0x1E500] =	vst v63  }
0x238: {  	s7 =	sadd.s32 $0x14420, s4;
	s10 =	sadd.s32 $0x20, s1  }
0x239: {  	[hbm4b:s10+s2] =	stream.linear.scatter [tilespmem:s7], [sflag:$0x3], $0x80, $0x38;
	[tilespmem:$0x1E500] =	vst v63  }
0x23a: {  	s7 =	sadd.s32 $0x144B0, s4;
	s10 =	sadd.s32 $0x30, s1  }
0x23b: {  	[hbm4b:s10+s2] =	stream.linear.scatter [tilespmem:s7], [sflag:$0x3], $0x80, $0x38;
	[tilespmem:$0x1E500] =	vst v63  }
0x23c: {  	s7 =	sadd.s32 $0x14540, s4;
	s10 =	sadd.s32 $0x40, s1  }
0x23d: {  	[hbm4b:s10+s2] =	stream.linear.scatter [tilespmem:s7], [sflag:$0x3], $0x80, $0x38;
	[tilespmem:$0x1E500] =	vst v63  }
.Ltmp6:
0x23e: {  	s7 =	sadd.s32 $0x145D0, s4;
	s10 =	sadd.s32 $0x50, s1;
	(pc) =	sbr.rel @p0 .LBB2_15-.Ltmp6, $4  }
0x23f: {  	[hbm4b:s10+s2] =	stream.linear.scatter [tilespmem:s7], [sflag:$0x3], $0x80, $0x38;
	[tilespmem:$0x1E500] =	vst v63  }
0x240: {  	s12 =	sadd.s32 $0x70, s1;
	s7 =	sadd.s32 $0x14660, s4;
	s10 =	sadd.s32 $0x60, s1  }
0x241: {  	[hbm4b:s10+s2] =	stream.linear.scatter [tilespmem:s7], [sflag:$0x3], $0x80, $0x38;
	[tilespmem:$0x1E500] =	vst v63  }
0x242: {  	s1 =	sadd.s32 $0x80, s1;
	s10 =	sadd.s32 $0x146F0, s4;
	s7 =	smov.u32 s5  }
0x243: {  	[hbm4b:s12+s2] =	stream.linear.scatter [tilespmem:s10], [sflag:$0x3], $0x80, $0x38;
	[tilespmem:$0x1E500] =	vst v63  }
0x244: {  	s4 =	sadd.s32 $0x14300, s0  }
0x245: {  	[hbm4b:s1+s2] =	stream.linear.scatter [tilespmem:s4], [sflag:$0x3], $0x80, $0x38;
	[tilespmem:$0x1E500] =	vst v63  }
0x246: {  	s7 =	sadd.s32 $0x14390, s0;
	s5 =	sadd.s32 $0x10, s1  }
0x247: {  	[hbm4b:s5+s2] =	stream.linear.scatter [tilespmem:s7], [sflag:$0x3], $0x80, $0x38;
	[tilespmem:$0x1E500] =	vst v63  }
0x248: {  	s10 =	sadd.s32 $0x14420, s0;
	s12 =	sadd.s32 $0x20, s1  }
0x249: {  	[hbm4b:s12+s2] =	stream.linear.scatter [tilespmem:s10], [sflag:$0x3], $0x80, $0x38;
	[tilespmem:$0x1E500] =	vst v63  }
0x24a: {  	s13 =	sadd.s32 $0x144B0, s0;
	s14 =	sadd.s32 $0x30, s1  }
0x24b: {  	[hbm4b:s14+s2] =	stream.linear.scatter [tilespmem:s13], [sflag:$0x3], $0x80, $0x38;
	[tilespmem:$0x1E500] =	vst v63  }
0x24c: {  	s15 =	sadd.s32 $0x14540, s0;
	s16 =	sadd.s32 $0x40, s1;
	s29 =	sadd.s32 $0x1, s29  }
0x24d: {  	[hbm4b:s16+s2] =	stream.linear.scatter [tilespmem:s15], [sflag:$0x3], $0x80, $0x38;
	[tilespmem:$0x1E500] =	vst v63  }
0x24e: {  	s17 =	sadd.s32 $0x145D0, s0;
	s21 =	sadd.s32 $0x50, s1;
	p0 =	sne.s32 s29, $0x20  }
0x24f: {  	[hbm4b:s21+s2] =	stream.linear.scatter [tilespmem:s17], [sflag:$0x3], $0x80, $0x38;
	[tilespmem:$0x1E500] =	vst v63  }
.Ltmp7:
0x250: {  	_ = 	snop;
	(pc) =	sbr.rel @p0 .LBB2_10-.Ltmp7, $4  }
0x251: {  	s26 =	sadd.s32 $0x14660, s0;
	s28 =	sadd.s32 $0x60, s1  }
0x252: {  	[hbm4b:s28+s2] =	stream.linear.scatter [tilespmem:s26], [sflag:$0x3], $0x80, $0x38;
	[tilespmem:$0x1E500] =	vst v63  }
0x253: {  	s30 =	sadd.s32 $0x146F0, s0;
	s31 =	sadd.s32 $0x70, s1  }
0x254: {  	[hbm4b:s31+s2] =	stream.linear.scatter [tilespmem:s30], [sflag:$0x3], $0x80, $0x38;
	[tilespmem:$0x1E500] =	vst v63  }
0x255: {  	s1 =	simm.s32 $0x3  }
0x256: {  	_ =	swait.ge [sflag:s1], $0x8000  }
0x257: {  	s4 =	rddreg [dreg:$0x7]  }
0x258: {  	s0 =	rddreg [dreg:$0x6];
	s4 =	sadd.s32 $0x1, s4  }
0x259: {  	p0 =	sne.s32 s4, s0  }
.Ltmp8:
0x25a: {  	_ = 	snop;
	(pc) =	sbr.rel @p0 .LBB2_1-.Ltmp8, $3  }
0x25b: {  	_ =	sdelay $0x1  }
0x25c: {  	[sflag:s1] =	ssyncset.done $0x0  }
0x25d: {  	[sflag:s1] =	ssyncadd.s32 $0xFFFF8000  }
0x25e: {  	_ =	sfence.sel $0x180000  }
0x25f: {  	[bflag:$0x0] =	sbarrier.arrive $0xFFFF  }
0x260: {  	_ =	strace $0x90000047  }
0x261: {  	s0 =	stileid.u32;
	[bflag:$0x2] =	sbarrier.arrive $0xFFFF  }
0x262: {  	p0 =	sne.s32 s0, $0x0;
	s0 =	rddreg [dreg:$0x3]  }
0x263: {  	s0 =	sadd.s32 @!p0 $0x100000, s0  }
0x264: {  	[sflag:s0] =	ssyncadd.tile.s32 @!p0 $0x1;
	_ =	shalt  }
.Lfunc_end2:
_tile_overlayer_lowered:
.L_overlay_start_2:
0x265: {  	(tag) =	ssettag $0x2  }
0x266: {  	s0 =	rddreg [dreg:$0x0];
	s2 =	stileid.u32  }
0x267: {  	s1 =	rddreg [dreg:$0x1];
	p0 =	sne.s32 s2, $0x0  }
0x268: {  	s3 =	rddreg [dreg:$0x2];
	[bflag:$0x3] =	sbarrier.arrive $0xFFFF;
	s2 =	simm.s32 @!p0 $0x1C04  }
0x269: {  	[timem:s3], [sflag:s2] =	dma.local @!p0 [hbm:s0], s1  }
0x26a: {  	s0 =	simm.s32 @!p0 $0x4  }
0x26b: {  	_ =	swait.ge @!p0 [sflag:s0], s1  }
0x26c: {  	s1 =	ssub.s32 @!p0 $0x0, s1;
	[sflag:s0] =	ssyncset.done @!p0 $0x0  }
0x26d: {  	[sflag:s0] =	ssyncadd.s32 @!p0 s1  }
0x26e: {  	[bflag:$0x3] =	sbarrier.arrive $0xFFFF  }
0x26f: {  	_ =	shalt  }

</sc_bundles>
